<compile_context>
chip_gen: v7x
topology: tpu7x:2x2x1
jax: 0.10.2.dev20260603
libtpu: 0.0.44.dev20260713+nightly
codegen_flags: <defaults>
</compile_context>

<pallas_src>
import dataclasses
import functools

import jax
import jax.numpy as jnp
from jax.experimental import pallas as pl
from jax.experimental.pallas import tpu as pltpu
from jax.experimental.pallas import tpu_sc as plsc

_N = 1_000_000
_B_SC = 2_000
_G_SC = _B_SC // 16
_OBS_VAL = 1000.0


def _sc_indicator(xt, n):
    mesh = plsc.VectorSubcoreMesh(core_axis_name="c", subcore_axis_name="s")
    cp = pltpu.CompilerParams()
    if "needs_layout_passes" in pltpu.CompilerParams.__dataclass_fields__:
        cp = dataclasses.replace(cp, needs_layout_passes=False)
    if "use_tc_tiling_on_sc" in pltpu.CompilerParams.__dataclass_fields__:
        cp = dataclasses.replace(cp, use_tc_tiling_on_sc=False)

    @functools.partial(
        pl.kernel,
        out_type=jax.ShapeDtypeStruct((n,), jnp.float32),
        mesh=mesh,
        compiler_params=cp,
    )
    def sc_kernel(x_hbm, o_hbm):
        def body(x_vmem, o_vmem):
            @plsc.parallel_loop(0, _G_SC, 1, unroll=4)
            def _(g):
                sl = pl.ds(g * 16, 16)
                e = x_vmem[0, sl]
                o = x_vmem[1, sl]
                m = (jnp.abs(e) <= 3.0) & (jnp.abs(o) <= 1.5)
                o_vmem[sl] = jnp.where(m, _OBS_VAL, 0.0).astype(jnp.float32)

        pltpu.emit_pipeline(
            body,
            grid=(n // _B_SC,),
            in_specs=[pl.BlockSpec((2, _B_SC), lambda i: (0, i))],
            out_specs=[pl.BlockSpec((_B_SC,), lambda i: (i,))],
            core_axis_name=("c", "s"),
            dimension_semantics=(pltpu.PARALLEL,),
        )(x_hbm, o_hbm)

    return sc_kernel(xt)


def kernel(x):
    out = _sc_indicator(x.T, _N)
    return out.reshape(_N, 1)

# --- scband reference (transcript-rebuilt; emitter-appended) ---
"""Pipeline reference for scband-obstacle-indicator-34102040330661 (READ-ONLY COPY).

The authoritative reference and input builder live on the scoring server;
editing this copy changes nothing except your own understanding.
"""

import jax, jax.numpy as jnp
import numpy as np

X_MIN, X_MAX = -3.0, 3.0
Y_MIN, Y_MAX = -1.5, 1.5
OBS_VAL = 1000.0

def setup_inputs(seed: int = 0) -> dict:
    key = jax.random.key(seed)
    x = jax.random.normal(key, (1000000, 2), dtype=jnp.float32)
    return {"x": x}

def reference(x) -> jnp.ndarray:
    # Faithful translation of Obstacle_indicator.forward:
    #   I = (x[:,0] >= x_min) & (x[:,0] <= x_max) & (x[:,1] >= y_min) & (x[:,1] <= y_max)
    #   out = zeros(N, 1); out[I] = obs_val
    mask = (x[:, 0] >= X_MIN) & (x[:, 0] <= X_MAX) & (x[:, 1] >= Y_MIN) & (x[:, 1] <= Y_MAX)
    out = jnp.where(mask[:, None], jnp.float32(OBS_VAL), jnp.float32(0.0))
    return out

if __name__ == "__main__":
    import jax
    _d = setup_inputs()
    print(jax.jit(kernel)(*tuple(_d.values())))

</pallas_src>

<mosaic_0001>
#map = affine_map<(d0, d1) -> (0, 0)>
#map1 = affine_map<(d0, d1) -> (0)>
module attributes {stable_mosaic.version = 14 : i64} {
  func.func @sc_kernel(%arg0: i32, %arg1: i32, %arg2: memref<2x1000000xf32, #tpu.memory_space<hbm>>, %arg3: memref<1000000xf32, #tpu.memory_space<hbm>>) attributes {dimension_semantics = [#tpu.dimension_semantics<core_parallel>, #tpu.dimension_semantics<subcore_parallel>], iteration_bounds = array<i64: 2, 16>, scalar_prefetch = 0 : i64, scratch_operands = 0 : i64, tpu.core_type = #tpu.core_type<sc_vector_subcore>, window_params = [{transform_indices = #map}, {transform_indices = #map1}]} {
    %mul3A = arith.constant 1 : i32
    %mul3A_0 = arith.muli %arg1, %mul3A : i32
    %add3A = arith.constant 0 : i32
    %add3A_1 = arith.addi %add3A, %mul3A_0 : i32
    %mul3A_2 = arith.constant 16 : i32
    %mul3A_3 = arith.muli %arg0, %mul3A_2 : i32
    %add3A_4 = arith.addi %add3A_1, %mul3A_3 : i32
    %lt3A = arith.constant 20 : i32
    %lt3A_5 = arith.cmpi slt, %add3A_4, %lt3A : i32
    %jit3A = arith.constant 16 : i32
    %jit3A_6 = arith.constant 15 : i32
    %select_n3A = arith.select %lt3A_5, %jit3A, %jit3A_6 : i32
    %lt3A_7 = arith.constant 20 : i32
    %lt3A_8 = arith.cmpi slt, %add3A_4, %lt3A_7 : i32
    %mul3A_9 = arith.muli %add3A_4, %select_n3A : i32
    %mul3A_10 = arith.constant 15 : i32
    %mul3A_11 = arith.muli %add3A_4, %mul3A_10 : i32
    %add3A_12 = arith.constant 20 : i32
    %add3A_13 = arith.addi %mul3A_11, %add3A_12 : i32
    %select_n3A_14 = arith.select %lt3A_8, %mul3A_9, %add3A_13 : i32
    %mul3A_15 = arith.constant 1 : i32
    %mul3A_16 = arith.muli %mul3A_15, %select_n3A : i32
    "tpu.region"() ({
      %run_scoped3A = memref.alloca() : memref<2x2x2000xf32, #tpu.memory_space<vmem>>
      %run_scoped3A_17 = tpu.sem_alloc : memref<2x!tpu.dma_semaphore, #tpu.memory_space<semaphore_mem>>
      %run_scoped3A_18 = memref.alloca() : memref<4000xf32, #tpu.memory_space<vmem>>
      %run_scoped3A_19 = tpu.sem_alloc : memref<2x!tpu.dma_semaphore, #tpu.memory_space<semaphore_mem>>
      %gt3A = arith.constant 0 : i32
      %gt3A_20 = arith.cmpi sgt, %mul3A_16, %gt3A : i32
      %convert_element_type3A = arith.extui %gt3A_20 : i1 to i32
      %cond3A = arith.constant 0 : i32
      %cond3A_21 = arith.cmpi ne, %convert_element_type3A, %cond3A : i32
      scf.if %cond3A_21 {
        %mul3A_22 = arith.constant 1 : i32
        %mul3A_23 = arith.muli %mul3A_22, %select_n3A : i32
        %sub3A = arith.constant 1 : i32
        %sub3A_24 = arith.subi %mul3A_23, %sub3A : i32
        %eq3A = arith.constant 0 : i32
        %eq3A_25 = arith.cmpi eq, %sub3A_24, %eq3A : i32
        %add3A_26 = arith.constant 0 : i32
        %add3A_27 = arith.addi %add3A_26, %select_n3A_14 : i32
        %select_n3A_28 = arith.constant true
        %select_n3A_29 = arith.constant 0 : i32
        %select_n3A_30 = arith.constant -1 : i32
        %select_n3A_31 = arith.select %select_n3A_28, %select_n3A_30, %select_n3A_29 : i32
        %eq3A_32 = arith.constant -1 : i32
        %eq3A_33 = arith.cmpi eq, %select_n3A_31, %eq3A_32 : i32
        %sub3A_34 = arith.constant 1 : i32
        %sub3A_35 = arith.subi %select_n3A, %sub3A_34 : i32
        %select_n3A_36 = arith.select %eq3A_33, %sub3A_35, %select_n3A_31 : i32
        %add3A_37 = arith.addi %select_n3A_36, %select_n3A_14 : i32
        %select_n3A_38 = arith.constant true
        %select_n3A_39 = arith.constant 0 : i32
        %select_n3A_40 = arith.constant 1 : i32
        %select_n3A_41 = arith.select %select_n3A_38, %select_n3A_40, %select_n3A_39 : i32
        %eq3A_42 = arith.cmpi eq, %select_n3A_41, %select_n3A : i32
        %select_n3A_43 = arith.constant 0 : i32
        %select_n3A_44 = arith.select %eq3A_42, %select_n3A_43, %select_n3A_41 : i32
        %add3A_45 = arith.addi %select_n3A_44, %select_n3A_14 : i32
        %add3A_46 = arith.constant 1 : i32
        %add3A_47 = arith.addi %select_n3A_44, %add3A_46 : i32
        %select_n3A_48 = arith.constant true
        %select_n3A_49 = arith.select %select_n3A_48, %add3A_47, %select_n3A_44 : i32
        %eq3A_50 = arith.cmpi eq, %select_n3A_49, %select_n3A : i32
        %select_n3A_51 = arith.constant 0 : i32
        %select_n3A_52 = arith.select %eq3A_50, %select_n3A_51, %select_n3A_49 : i32
        %add3A_53 = arith.addi %select_n3A_52, %select_n3A_14 : i32
        "tpu.trace_start"() <{level = 10 : i32, message = "ep_initialize_0"}> : () -> ()
        %rem3A = arith.constant 0 : i32
        %rem3A_54 = arith.constant 2 : i32
        %rem3A_55 = arith.remui %rem3A, %rem3A_54 : i32
        %mul3A_56 = arith.constant 2000 : i32
        %mul3A_57 = arith.muli %mul3A_56, %add3A_27 : i32
        %dma_start3A = arith.constant 0 : i32
        %dma_start3A_58 = arith.constant 0 : i32
        %dma_start3A_59 = tpu.memref_slice %run_scoped3A[%rem3A_55, %dma_start3A, %dma_start3A_58] : memref<2x2x2000xf32, #tpu.memory_space<vmem>> -> memref<1x2x2000xf32, #tpu.memory_space<vmem>>
        %dma_start3A_60 = tpu.memref_squeeze %dma_start3A_59 : memref<1x2x2000xf32, #tpu.memory_space<vmem>> -> memref<2x2000xf32, #tpu.memory_space<vmem>>
        %dma_start3A_61 = arith.constant 0 : i32
        %dma_start3A_62 = tpu.memref_slice %arg2[%dma_start3A_61, %mul3A_57] : memref<2x1000000xf32, #tpu.memory_space<hbm>> -> memref<2x2000xf32, #tpu.memory_space<hbm>>
        %dma_start3A_63 = tpu.memref_slice %run_scoped3A_17[%rem3A_55] : memref<2x!tpu.dma_semaphore, #tpu.memory_space<semaphore_mem>> -> memref<1x!tpu.dma_semaphore, #tpu.memory_space<semaphore_mem>>
        %dma_start3A_64 = tpu.memref_squeeze %dma_start3A_63 : memref<1x!tpu.dma_semaphore, #tpu.memory_space<semaphore_mem>> -> memref<!tpu.dma_semaphore, #tpu.memory_space<semaphore_mem>>
        %dma_start3A_65 = arith.constant 0 : i32
        %dma_start3A_66 = arith.constant 0 : i32
        %dma_start3A_67 = tpu.memref_slice %run_scoped3A[%rem3A_55, %dma_start3A_65, %dma_start3A_66] : memref<2x2x2000xf32, #tpu.memory_space<vmem>> -> memref<1x2x2000xf32, #tpu.memory_space<vmem>>
        %dma_start3A_68 = tpu.memref_squeeze %dma_start3A_67 : memref<1x2x2000xf32, #tpu.memory_space<vmem>> -> memref<2x2000xf32, #tpu.memory_space<vmem>>
        %dma_start3A_69 = arith.constant 0 : i32
        %dma_start3A_70 = tpu.memref_slice %arg2[%dma_start3A_69, %mul3A_57] : memref<2x1000000xf32, #tpu.memory_space<hbm>> -> memref<2x2000xf32, #tpu.memory_space<hbm>>
        tpu.enqueue_dma source(%dma_start3A_70 : memref<2x2000xf32, #tpu.memory_space<hbm>>) target(%dma_start3A_68 : memref<2x2000xf32, #tpu.memory_space<vmem>>) target_semaphore(%dma_start3A_64 : memref<!tpu.dma_semaphore, #tpu.memory_space<semaphore_mem>>)
        %add3A_71 = arith.constant 0 : i32
        %add3A_72 = arith.constant 1 : i32
        %add3A_73 = arith.addi %add3A_71, %add3A_72 : i32
        %select_n3A_74 = arith.constant true
        %select_n3A_75 = arith.constant 0 : i32
        %select_n3A_76 = arith.select %select_n3A_74, %add3A_73, %select_n3A_75 : i32
        %while3A = arith.constant 0 : i32
        %while3A_77 = arith.constant 0 : i32
        %while3A_78 = arith.constant 0 : i32
        %while3A_79 = arith.constant 0 : i32
        %while3A_80 = arith.constant 0 : i32
        "tpu.trace_stop"() : () -> ()
        %while3A_81 = arith.subi %mul3A_16, %while3A : i32
        %while3A_82 = arith.addi %while3A, %while3A_81 : i32
        %while3A_83 = arith.constant 1 : i32
        %while3A_84 = arith.divsi %while3A_81, %while3A_83 : i32
        %while3A_85 = arith.muli %while3A_84, %while3A_83 : i32
        %while3A_86 = arith.addi %while3A, %while3A_85 : i32
        %while3A_87 = arith.constant 1 : i32
        %while3A_88:5 = scf.for %while3A_142 = %while3A to %while3A_86 step %while3A_87 iter_args(%while3A_143 = %select_n3A_76, %while3A_144 = %while3A_77, %while3A_145 = %while3A_78, %while3A_146 = %while3A_79, %while3A_147 = %while3A_80) -> (i32, i32, i32, i32, i32)  : i32 {
          %mul3A_148 = arith.constant 1 : i32
          %mul3A_149 = arith.muli %mul3A_148, %select_n3A : i32
          %eq3A_150 = arith.constant 0 : i32
          %eq3A_151 = arith.cmpi eq, %while3A_142, %eq3A_150 : i32
          %sub3A_152 = arith.constant 1 : i32
          %sub3A_153 = arith.subi %mul3A_149, %sub3A_152 : i32
          %eq3A_154 = arith.cmpi eq, %while3A_142, %sub3A_153 : i32
          %add3A_155 = arith.addi %while3A_147, %select_n3A_14 : i32
          %sub3A_156 = arith.constant 1 : i32
          %sub3A_157 = arith.subi %while3A_147, %sub3A_156 : i32
          %select_n3A_158 = arith.constant true
          %select_n3A_159 = arith.select %select_n3A_158, %sub3A_157, %while3A_147 : i32
          %eq3A_160 = arith.constant -1 : i32
          %eq3A_161 = arith.cmpi eq, %select_n3A_159, %eq3A_160 : i32
          %sub3A_162 = arith.constant 1 : i32
          %sub3A_163 = arith.subi %select_n3A, %sub3A_162 : i32
          %select_n3A_164 = arith.select %eq3A_161, %sub3A_163, %select_n3A_159 : i32
          %add3A_165 = arith.addi %select_n3A_164, %select_n3A_14 : i32
          %add3A_166 = arith.constant 1 : i32
          %add3A_167 = arith.addi %while3A_147, %add3A_166 : i32
          %select_n3A_168 = arith.constant true
          %select_n3A_169 = arith.select %select_n3A_168, %add3A_167, %while3A_147 : i32
          %eq3A_170 = arith.cmpi eq, %select_n3A_169, %select_n3A : i32
          %select_n3A_171 = arith.constant 0 : i32
          %select_n3A_172 = arith.select %eq3A_170, %select_n3A_171, %select_n3A_169 : i32
          %add3A_173 = arith.addi %select_n3A_172, %select_n3A_14 : i32
          %add3A_174 = arith.constant 1 : i32
          %add3A_175 = arith.addi %select_n3A_172, %add3A_174 : i32
          %select_n3A_176 = arith.constant true
          %select_n3A_177 = arith.select %select_n3A_176, %add3A_175, %select_n3A_172 : i32
          %eq3A_178 = arith.cmpi eq, %select_n3A_177, %select_n3A : i32
          %select_n3A_179 = arith.constant 0 : i32
          %select_n3A_180 = arith.select %eq3A_178, %select_n3A_179, %select_n3A_177 : i32
          %add3A_181 = arith.addi %select_n3A_180, %select_n3A_14 : i32
          %ne3A = arith.cmpi ne, %add3A_155, %add3A_173 : i32
          %or3A = arith.constant false
          %or3A_182 = arith.ori %or3A, %ne3A : i1
          %sub3A_183 = arith.constant 2 : i32
          %sub3A_184 = arith.subi %mul3A_149, %sub3A_183 : i32
          %add3A_185 = arith.constant 1 : i32
          %add3A_186 = arith.addi %sub3A_184, %add3A_185 : i32
          %ge3A = arith.cmpi sge, %while3A_142, %add3A_186 : i32
          %not3A = arith.constant true
          %not3A_187 = arith.xori %ge3A, %not3A : i1
          %and3A = arith.andi %or3A_182, %not3A_187 : i1
          %convert_element_type3A_188 = arith.extui %and3A : i1 to i32
          %cond3A_189 = arith.constant 0 : i32
          %cond3A_190 = arith.cmpi ne, %convert_element_type3A_188, %cond3A_189 : i32
          scf.if %cond3A_190 {
            "tpu.trace_start"() <{level = 10 : i32, message = "ep_copy_in"}> : () -> ()
            %rem3A_289 = arith.constant 2 : i32
            %rem3A_290 = arith.remui %while3A_143, %rem3A_289 : i32
            %mul3A_291 = arith.constant 2000 : i32
            %mul3A_292 = arith.muli %mul3A_291, %add3A_173 : i32
            %dma_start3A_293 = arith.constant 0 : i32
            %dma_start3A_294 = arith.constant 0 : i32
            %dma_start3A_295 = tpu.memref_slice %run_scoped3A[%rem3A_290, %dma_start3A_293, %dma_start3A_294] : memref<2x2x2000xf32, #tpu.memory_space<vmem>> -> memref<1x2x2000xf32, #tpu.memory_space<vmem>>
            %dma_start3A_296 = tpu.memref_squeeze %dma_start3A_295 : memref<1x2x2000xf32, #tpu.memory_space<vmem>> -> memref<2x2000xf32, #tpu.memory_space<vmem>>
            %dma_start3A_297 = arith.constant 0 : i32
            %dma_start3A_298 = tpu.memref_slice %arg2[%dma_start3A_297, %mul3A_292] : memref<2x1000000xf32, #tpu.memory_space<hbm>> -> memref<2x2000xf32, #tpu.memory_space<hbm>>
            %dma_start3A_299 = tpu.memref_slice %run_scoped3A_17[%rem3A_290] : memref<2x!tpu.dma_semaphore, #tpu.memory_space<semaphore_mem>> -> memref<1x!tpu.dma_semaphore, #tpu.memory_space<semaphore_mem>>
            %dma_start3A_300 = tpu.memref_squeeze %dma_start3A_299 : memref<1x!tpu.dma_semaphore, #tpu.memory_space<semaphore_mem>> -> memref<!tpu.dma_semaphore, #tpu.memory_space<semaphore_mem>>
            %dma_start3A_301 = arith.constant 0 : i32
            %dma_start3A_302 = arith.constant 0 : i32
            %dma_start3A_303 = tpu.memref_slice %run_scoped3A[%rem3A_290, %dma_start3A_301, %dma_start3A_302] : memref<2x2x2000xf32, #tpu.memory_space<vmem>> -> memref<1x2x2000xf32, #tpu.memory_space<vmem>>
            %dma_start3A_304 = tpu.memref_squeeze %dma_start3A_303 : memref<1x2x2000xf32, #tpu.memory_space<vmem>> -> memref<2x2000xf32, #tpu.memory_space<vmem>>
            %dma_start3A_305 = arith.constant 0 : i32
            %dma_start3A_306 = tpu.memref_slice %arg2[%dma_start3A_305, %mul3A_292] : memref<2x1000000xf32, #tpu.memory_space<hbm>> -> memref<2x2000xf32, #tpu.memory_space<hbm>>
            tpu.enqueue_dma source(%dma_start3A_306 : memref<2x2000xf32, #tpu.memory_space<hbm>>) target(%dma_start3A_304 : memref<2x2000xf32, #tpu.memory_space<vmem>>) target_semaphore(%dma_start3A_300 : memref<!tpu.dma_semaphore, #tpu.memory_space<semaphore_mem>>)
            "tpu.trace_stop"() : () -> ()
          } else {
          }
          %and3A_191 = arith.constant true
          %and3A_192 = arith.andi %and3A, %and3A_191 : i1
          %add3A_193 = arith.constant 1 : i32
          %add3A_194 = arith.addi %while3A_143, %add3A_193 : i32
          %select_n3A_195 = arith.select %and3A_192, %add3A_194, %while3A_143 : i32
          %ne3A_196 = arith.cmpi ne, %add3A_155, %add3A_173 : i32
          %or3A_197 = arith.constant false
          %or3A_198 = arith.ori %or3A_197, %ne3A_196 : i1
          %sub3A_199 = arith.constant 2 : i32
          %sub3A_200 = arith.subi %mul3A_149, %sub3A_199 : i32
          %add3A_201 = arith.constant 1 : i32
          %add3A_202 = arith.addi %sub3A_200, %add3A_201 : i32
          %ge3A_203 = arith.cmpi sge, %while3A_142, %add3A_202 : i32
          %not3A_204 = arith.constant true
          %not3A_205 = arith.xori %ge3A_203, %not3A_204 : i1
          %and3A_206 = arith.andi %or3A_198, %not3A_205 : i1
          %ne3A_207 = arith.cmpi ne, %add3A_155, %add3A_165 : i32
          %or3A_208 = arith.constant false
          %or3A_209 = arith.ori %or3A_208, %ne3A_207 : i1
          %or3A_210 = arith.ori %or3A_209, %eq3A_151 : i1
          %convert_element_type3A_211 = arith.extui %or3A_210 : i1 to i32
          %cond3A_212 = arith.constant 0 : i32
          %cond3A_213 = arith.cmpi ne, %convert_element_type3A_211, %cond3A_212 : i32
          scf.if %cond3A_213 {
            "tpu.trace_start"() <{level = 10 : i32, message = "ep_wait_in"}> : () -> ()
            %mul3A_289 = arith.constant 2000 : i32
            %mul3A_290 = arith.muli %mul3A_289, %add3A_155 : i32
            %rem3A_291 = arith.constant 2 : i32
            %rem3A_292 = arith.remui %while3A_144, %rem3A_291 : i32
            %dma_wait3A = arith.constant 0 : i32
            %dma_wait3A_293 = arith.constant 0 : i32
            %dma_wait3A_294 = tpu.memref_slice %run_scoped3A[%rem3A_292, %dma_wait3A, %dma_wait3A_293] : memref<2x2x2000xf32, #tpu.memory_space<vmem>> -> memref<1x2x2000xf32, #tpu.memory_space<vmem>>
            %dma_wait3A_295 = tpu.memref_squeeze %dma_wait3A_294 : memref<1x2x2000xf32, #tpu.memory_space<vmem>> -> memref<2x2000xf32, #tpu.memory_space<vmem>>
            %dma_wait3A_296 = arith.constant 0 : i32
            %dma_wait3A_297 = tpu.memref_slice %arg2[%dma_wait3A_296, %mul3A_290] : memref<2x1000000xf32, #tpu.memory_space<hbm>> -> memref<2x2000xf32, #tpu.memory_space<hbm>>
            %dma_wait3A_298 = tpu.memref_slice %run_scoped3A_17[%rem3A_292] : memref<2x!tpu.dma_semaphore, #tpu.memory_space<semaphore_mem>> -> memref<1x!tpu.dma_semaphore, #tpu.memory_space<semaphore_mem>>
            %dma_wait3A_299 = tpu.memref_squeeze %dma_wait3A_298 : memref<1x!tpu.dma_semaphore, #tpu.memory_space<semaphore_mem>> -> memref<!tpu.dma_semaphore, #tpu.memory_space<semaphore_mem>>
            %dma_wait3A_300 = arith.constant 0 : i32
            %dma_wait3A_301 = arith.constant 0 : i32
            %dma_wait3A_302 = tpu.memref_slice %run_scoped3A[%rem3A_292, %dma_wait3A_300, %dma_wait3A_301] : memref<2x2x2000xf32, #tpu.memory_space<vmem>> -> memref<1x2x2000xf32, #tpu.memory_space<vmem>>
            %dma_wait3A_303 = tpu.memref_squeeze %dma_wait3A_302 : memref<1x2x2000xf32, #tpu.memory_space<vmem>> -> memref<2x2000xf32, #tpu.memory_space<vmem>>
            %dma_wait3A_304 = arith.constant 0 : i32
            %dma_wait3A_305 = tpu.memref_slice %arg2[%dma_wait3A_304, %mul3A_290] : memref<2x1000000xf32, #tpu.memory_space<hbm>> -> memref<2x2000xf32, #tpu.memory_space<hbm>>
            tpu.wait_dma2 semaphore(%dma_wait3A_299 : memref<!tpu.dma_semaphore, #tpu.memory_space<semaphore_mem>>) src(%dma_wait3A_305 : memref<2x2000xf32, #tpu.memory_space<hbm>>) dst(%dma_wait3A_303 : memref<2x2000xf32, #tpu.memory_space<vmem>>)
            "tpu.trace_stop"() : () -> ()
          } else {
          }
          %ne3A_214 = arith.cmpi ne, %add3A_155, %add3A_165 : i32
          %or3A_215 = arith.constant false
          %or3A_216 = arith.ori %or3A_215, %ne3A_214 : i1
          %or3A_217 = arith.ori %or3A_216, %eq3A_151 : i1
          %convert_element_type3A_218 = arith.extui %or3A_217 : i1 to i32
          %cond3A_219 = arith.constant 0 : i32
          %cond3A_220 = arith.cmpi ne, %convert_element_type3A_218, %cond3A_219 : i32
          scf.if %cond3A_220 {
          } else {
          }
          %rem3A_221 = arith.constant 2 : i32
          %rem3A_222 = arith.remui %while3A_144, %rem3A_221 : i32
          %rem3A_223 = arith.constant 2 : i32
          %rem3A_224 = arith.remui %while3A_145, %rem3A_223 : i32
          %mul3A_225 = arith.constant 2000 : i32
          %mul3A_226 = arith.muli %rem3A_224, %mul3A_225 : i32
          %parallel_loop3A = arith.constant 0 : i32
          %parallel_loop3A_227 = arith.constant 125 : i32
          %parallel_loop3A_228 = arith.constant 1 : i32
          "tpu.trace_start"() <{level = 10 : i32, message = "ep_run_kernel"}> : () -> ()
          scf.for %parallel_loop3A_289 = %parallel_loop3A to %parallel_loop3A_227 step %parallel_loop3A_228  : i32 {
            %parallel_loop3A_290 = arith.constant 16 : i32
            %parallel_loop3A_291 = arith.muli %parallel_loop3A_289, %parallel_loop3A_290 : i32
            %parallel_loop3A_292 = arith.constant 0 : i32
            %parallel_loop3A_293 = arith.constant 0 : i32
            %parallel_loop3A_294 = arith.constant 0 : i32
            %parallel_loop3A_295 = tpu.memref_slice %run_scoped3A[%rem3A_222, %parallel_loop3A_293, %parallel_loop3A_294] : memref<2x2x2000xf32, #tpu.memory_space<vmem>> -> memref<1x2x2000xf32, #tpu.memory_space<vmem>>
            %parallel_loop3A_296 = tpu.memref_squeeze %parallel_loop3A_295 : memref<1x2x2000xf32, #tpu.memory_space<vmem>> -> memref<2x2000xf32, #tpu.memory_space<vmem>>
            %parallel_loop3A_297 = arith.index_cast %parallel_loop3A_292 : i32 to index
            %parallel_loop3A_298 = arith.index_cast %parallel_loop3A_291 : i32 to index
            %parallel_loop3A_299 = tpu.vector_load %parallel_loop3A_296[%parallel_loop3A_297, %parallel_loop3A_298] {strides = array<i32>} : memref<2x2000xf32, #tpu.memory_space<vmem>>, vector<16xf32>,
            %parallel_loop3A_300 = arith.constant 1 : i32
            %parallel_loop3A_301 = arith.constant 0 : i32
            %parallel_loop3A_302 = arith.constant 0 : i32
            %parallel_loop3A_303 = tpu.memref_slice %run_scoped3A[%rem3A_222, %parallel_loop3A_301, %parallel_loop3A_302] : memref<2x2x2000xf32, #tpu.memory_space<vmem>> -> memref<1x2x2000xf32, #tpu.memory_space<vmem>>
            %parallel_loop3A_304 = tpu.memref_squeeze %parallel_loop3A_303 : memref<1x2x2000xf32, #tpu.memory_space<vmem>> -> memref<2x2000xf32, #tpu.memory_space<vmem>>
            %parallel_loop3A_305 = arith.index_cast %parallel_loop3A_300 : i32 to index
            %parallel_loop3A_306 = arith.index_cast %parallel_loop3A_291 : i32 to index
            %parallel_loop3A_307 = tpu.vector_load %parallel_loop3A_304[%parallel_loop3A_305, %parallel_loop3A_306] {strides = array<i32>} : memref<2x2000xf32, #tpu.memory_space<vmem>>, vector<16xf32>,
            %parallel_loop3A_308 = math.absf %parallel_loop3A_299 : vector<16xf32>
            %parallel_loop3A_309 = arith.constant 3.000000e+00 : f32
            %parallel_loop3A_310 = vector.broadcast %parallel_loop3A_309 : f32 to vector<16xf32>
            %parallel_loop3A_311 = arith.cmpf ole, %parallel_loop3A_308, %parallel_loop3A_310 : vector<16xf32>
            %parallel_loop3A_312 = math.absf %parallel_loop3A_307 : vector<16xf32>
            %parallel_loop3A_313 = arith.constant 1.500000e+00 : f32
            %parallel_loop3A_314 = vector.broadcast %parallel_loop3A_313 : f32 to vector<16xf32>
            %parallel_loop3A_315 = arith.cmpf ole, %parallel_loop3A_312, %parallel_loop3A_314 : vector<16xf32>
            %parallel_loop3A_316 = arith.andi %parallel_loop3A_311, %parallel_loop3A_315 : vector<16xi1>
            %parallel_loop3A_317 = arith.constant 1.000000e+03 : f32
            %parallel_loop3A_318 = arith.constant 0.000000e+00 : f32
            %parallel_loop3A_319 = vector.broadcast %parallel_loop3A_317 : f32 to vector<16xf32>
            %parallel_loop3A_320 = vector.broadcast %parallel_loop3A_318 : f32 to vector<16xf32>
            %parallel_loop3A_321 = arith.select %parallel_loop3A_316, %parallel_loop3A_319, %parallel_loop3A_320 : vector<16xi1>, vector<16xf32>
            %parallel_loop3A_322 = tpu.memref_slice %run_scoped3A_18[%mul3A_226] : memref<4000xf32, #tpu.memory_space<vmem>> -> memref<2000xf32, #tpu.memory_space<vmem>>
            %parallel_loop3A_323 = arith.index_cast %parallel_loop3A_291 : i32 to index
            %parallel_loop3A_324 = tpu.vector_load %parallel_loop3A_322[%parallel_loop3A_323] {strides = array<i32>} : memref<2000xf32, #tpu.memory_space<vmem>>, vector<16xf32>,
            tpu.vector_store %parallel_loop3A_322[%parallel_loop3A_323], %parallel_loop3A_321 {strides = array<i32>} : memref<2000xf32, #tpu.memory_space<vmem>>, vector<16xf32>,
          } {sc.loop_unroll_factor = 4 : i64, sc.parallel_access}
          "tpu.trace_stop"() : () -> ()
          %ne3A_229 = arith.cmpi ne, %add3A_155, %add3A_173 : i32
          %or3A_230 = arith.constant false
          %or3A_231 = arith.ori %or3A_230, %ne3A_229 : i1
          %or3A_232 = arith.ori %or3A_231, %eq3A_154 : i1
          %convert_element_type3A_233 = arith.extui %or3A_232 : i1 to i32
          %cond3A_234 = arith.constant 0 : i32
          %cond3A_235 = arith.cmpi ne, %convert_element_type3A_233, %cond3A_234 : i32
          scf.if %cond3A_235 {
          } else {
          }
          %and3A_236 = arith.constant false
          %and3A_237 = arith.andi %or3A_232, %and3A_236 : i1
          %ne3A_238 = arith.cmpi ne, %add3A_155, %add3A_173 : i32
          %or3A_239 = arith.constant false
          %or3A_240 = arith.ori %or3A_239, %ne3A_238 : i1
          %or3A_241 = arith.ori %or3A_240, %eq3A_154 : i1
          %convert_element_type3A_242 = arith.extui %or3A_241 : i1 to i32
          %cond3A_243 = arith.constant 0 : i32
          %cond3A_244 = arith.cmpi ne, %convert_element_type3A_242, %cond3A_243 : i32
          scf.if %cond3A_244 {
            "tpu.trace_start"() <{level = 10 : i32, message = "ep_copy_out"}> : () -> ()
            %rem3A_289 = arith.constant 2 : i32
            %rem3A_290 = arith.remui %while3A_145, %rem3A_289 : i32
            %mul3A_291 = arith.constant 2000 : i32
            %mul3A_292 = arith.muli %mul3A_291, %add3A_155 : i32
            %mul3A_293 = arith.constant 2000 : i32
            %mul3A_294 = arith.muli %rem3A_290, %mul3A_293 : i32
            %add3A_295 = arith.constant 0 : i32
            %add3A_296 = arith.addi %mul3A_294, %add3A_295 : i32
            %dma_start3A_297 = tpu.memref_slice %run_scoped3A_18[%add3A_296] : memref<4000xf32, #tpu.memory_space<vmem>> -> memref<2000xf32, #tpu.memory_space<vmem>>
            %dma_start3A_298 = tpu.memref_slice %arg3[%mul3A_292] : memref<1000000xf32, #tpu.memory_space<hbm>> -> memref<2000xf32, #tpu.memory_space<hbm>>
            %dma_start3A_299 = tpu.memref_slice %run_scoped3A_19[%rem3A_290] : memref<2x!tpu.dma_semaphore, #tpu.memory_space<semaphore_mem>> -> memref<1x!tpu.dma_semaphore, #tpu.memory_space<semaphore_mem>>
            %dma_start3A_300 = tpu.memref_squeeze %dma_start3A_299 : memref<1x!tpu.dma_semaphore, #tpu.memory_space<semaphore_mem>> -> memref<!tpu.dma_semaphore, #tpu.memory_space<semaphore_mem>>
            %dma_start3A_301 = tpu.memref_slice %arg3[%mul3A_292] : memref<1000000xf32, #tpu.memory_space<hbm>> -> memref<2000xf32, #tpu.memory_space<hbm>>
            %dma_start3A_302 = tpu.memref_slice %run_scoped3A_18[%add3A_296] : memref<4000xf32, #tpu.memory_space<vmem>> -> memref<2000xf32, #tpu.memory_space<vmem>>
            tpu.enqueue_dma source(%dma_start3A_302 : memref<2000xf32, #tpu.memory_space<vmem>>) target(%dma_start3A_301 : memref<2000xf32, #tpu.memory_space<hbm>>) target_semaphore(%dma_start3A_300 : memref<!tpu.dma_semaphore, #tpu.memory_space<semaphore_mem>>)
            "tpu.trace_stop"() : () -> ()
          } else {
          }
          %and3A_245 = arith.constant true
          %and3A_246 = arith.andi %or3A_241, %and3A_245 : i1
          %add3A_247 = arith.constant 1 : i32
          %add3A_248 = arith.addi %while3A_145, %add3A_247 : i32
          %select_n3A_249 = arith.select %and3A_246, %add3A_248, %while3A_145 : i32
          %ne3A_250 = arith.cmpi ne, %add3A_155, %add3A_165 : i32
          %or3A_251 = arith.constant false
          %or3A_252 = arith.ori %or3A_251, %ne3A_250 : i1
          %not3A_253 = arith.constant true
          %not3A_254 = arith.xori %eq3A_151, %not3A_253 : i1
          %and3A_255 = arith.andi %or3A_252, %not3A_254 : i1
          %convert_element_type3A_256 = arith.extui %and3A_255 : i1 to i32
          %cond3A_257 = arith.constant 0 : i32
          %cond3A_258 = arith.cmpi ne, %convert_element_type3A_256, %cond3A_257 : i32
          scf.if %cond3A_258 {
          } else {
          }
          %and3A_259 = arith.constant false
          %and3A_260 = arith.andi %and3A_255, %and3A_259 : i1
          %ne3A_261 = arith.cmpi ne, %add3A_155, %add3A_165 : i32
          %or3A_262 = arith.constant false
          %or3A_263 = arith.ori %or3A_262, %ne3A_261 : i1
          %not3A_264 = arith.constant true
          %not3A_265 = arith.xori %eq3A_151, %not3A_264 : i1
          %and3A_266 = arith.andi %or3A_263, %not3A_265 : i1
          %convert_element_type3A_267 = arith.extui %and3A_266 : i1 to i32
          %cond3A_268 = arith.constant 0 : i32
          %cond3A_269 = arith.cmpi ne, %convert_element_type3A_267, %cond3A_268 : i32
          scf.if %cond3A_269 {
            "tpu.trace_start"() <{level = 10 : i32, message = "ep_wait_out"}> : () -> ()
            %rem3A_289 = arith.constant 2 : i32
            %rem3A_290 = arith.remui %while3A_146, %rem3A_289 : i32
            %mul3A_291 = arith.constant 2000 : i32
            %mul3A_292 = arith.muli %mul3A_291, %add3A_165 : i32
            %mul3A_293 = arith.constant 2000 : i32
            %mul3A_294 = arith.muli %rem3A_290, %mul3A_293 : i32
            %add3A_295 = arith.constant 0 : i32
            %add3A_296 = arith.addi %mul3A_294, %add3A_295 : i32
            %dma_wait3A = tpu.memref_slice %run_scoped3A_18[%add3A_296] : memref<4000xf32, #tpu.memory_space<vmem>> -> memref<2000xf32, #tpu.memory_space<vmem>>
            %dma_wait3A_297 = tpu.memref_slice %arg3[%mul3A_292] : memref<1000000xf32, #tpu.memory_space<hbm>> -> memref<2000xf32, #tpu.memory_space<hbm>>
            %dma_wait3A_298 = tpu.memref_slice %run_scoped3A_19[%rem3A_290] : memref<2x!tpu.dma_semaphore, #tpu.memory_space<semaphore_mem>> -> memref<1x!tpu.dma_semaphore, #tpu.memory_space<semaphore_mem>>
            %dma_wait3A_299 = tpu.memref_squeeze %dma_wait3A_298 : memref<1x!tpu.dma_semaphore, #tpu.memory_space<semaphore_mem>> -> memref<!tpu.dma_semaphore, #tpu.memory_space<semaphore_mem>>
            %dma_wait3A_300 = tpu.memref_slice %arg3[%mul3A_292] : memref<1000000xf32, #tpu.memory_space<hbm>> -> memref<2000xf32, #tpu.memory_space<hbm>>
            %dma_wait3A_301 = tpu.memref_slice %run_scoped3A_18[%add3A_296] : memref<4000xf32, #tpu.memory_space<vmem>> -> memref<2000xf32, #tpu.memory_space<vmem>>
            tpu.wait_dma2 semaphore(%dma_wait3A_299 : memref<!tpu.dma_semaphore, #tpu.memory_space<semaphore_mem>>) src(%dma_wait3A_301 : memref<2000xf32, #tpu.memory_space<vmem>>) dst(%dma_wait3A_300 : memref<2000xf32, #tpu.memory_space<hbm>>)
            "tpu.trace_stop"() : () -> ()
          } else {
          }
          %and3A_270 = arith.constant true
          %and3A_271 = arith.andi %and3A_266, %and3A_270 : i1
          %add3A_272 = arith.constant 1 : i32
          %add3A_273 = arith.addi %while3A_146, %add3A_272 : i32
          %select_n3A_274 = arith.select %and3A_271, %add3A_273, %while3A_146 : i32
          %ne3A_275 = arith.cmpi ne, %add3A_155, %add3A_173 : i32
          %or3A_276 = arith.constant false
          %or3A_277 = arith.ori %or3A_276, %ne3A_275 : i1
          %or3A_278 = arith.ori %or3A_277, %eq3A_154 : i1
          %add3A_279 = arith.constant 1 : i32
          %add3A_280 = arith.addi %while3A_144, %add3A_279 : i32
          %select_n3A_281 = arith.select %or3A_278, %add3A_280, %while3A_144 : i32
          %add3A_282 = arith.constant 1 : i32
          %add3A_283 = arith.addi %while3A_147, %add3A_282 : i32
          %select_n3A_284 = arith.constant true
          %select_n3A_285 = arith.select %select_n3A_284, %add3A_283, %while3A_147 : i32
          %eq3A_286 = arith.cmpi eq, %select_n3A_285, %select_n3A : i32
          %select_n3A_287 = arith.constant 0 : i32
          %select_n3A_288 = arith.select %eq3A_286, %select_n3A_287, %select_n3A_285 : i32
          scf.yield %select_n3A_195, %select_n3A_281, %select_n3A_249, %select_n3A_274, %select_n3A_288 : i32, i32, i32, i32, i32
        }
        %while3A_89 = arith.constant 1 : i32
        %while3A_90:5 = scf.for %while3A_142 = %while3A_86 to %while3A_82 step %while3A_89 iter_args(%while3A_143 = %while3A_88#0, %while3A_144 = %while3A_88#1, %while3A_145 = %while3A_88#2, %while3A_146 = %while3A_88#3, %while3A_147 = %while3A_88#4) -> (i32, i32, i32, i32, i32)  : i32 {
          %mul3A_148 = arith.constant 1 : i32
          %mul3A_149 = arith.muli %mul3A_148, %select_n3A : i32
          %eq3A_150 = arith.constant 0 : i32
          %eq3A_151 = arith.cmpi eq, %while3A_142, %eq3A_150 : i32
          %sub3A_152 = arith.constant 1 : i32
          %sub3A_153 = arith.subi %mul3A_149, %sub3A_152 : i32
          %eq3A_154 = arith.cmpi eq, %while3A_142, %sub3A_153 : i32
          %add3A_155 = arith.addi %while3A_147, %select_n3A_14 : i32
          %sub3A_156 = arith.constant 1 : i32
          %sub3A_157 = arith.subi %while3A_147, %sub3A_156 : i32
          %select_n3A_158 = arith.constant true
          %select_n3A_159 = arith.select %select_n3A_158, %sub3A_157, %while3A_147 : i32
          %eq3A_160 = arith.constant -1 : i32
          %eq3A_161 = arith.cmpi eq, %select_n3A_159, %eq3A_160 : i32
          %sub3A_162 = arith.constant 1 : i32
          %sub3A_163 = arith.subi %select_n3A, %sub3A_162 : i32
          %select_n3A_164 = arith.select %eq3A_161, %sub3A_163, %select_n3A_159 : i32
          %add3A_165 = arith.addi %select_n3A_164, %select_n3A_14 : i32
          %add3A_166 = arith.constant 1 : i32
          %add3A_167 = arith.addi %while3A_147, %add3A_166 : i32
          %select_n3A_168 = arith.constant true
          %select_n3A_169 = arith.select %select_n3A_168, %add3A_167, %while3A_147 : i32
          %eq3A_170 = arith.cmpi eq, %select_n3A_169, %select_n3A : i32
          %select_n3A_171 = arith.constant 0 : i32
          %select_n3A_172 = arith.select %eq3A_170, %select_n3A_171, %select_n3A_169 : i32
          %add3A_173 = arith.addi %select_n3A_172, %select_n3A_14 : i32
          %add3A_174 = arith.constant 1 : i32
          %add3A_175 = arith.addi %select_n3A_172, %add3A_174 : i32
          %select_n3A_176 = arith.constant true
          %select_n3A_177 = arith.select %select_n3A_176, %add3A_175, %select_n3A_172 : i32
          %eq3A_178 = arith.cmpi eq, %select_n3A_177, %select_n3A : i32
          %select_n3A_179 = arith.constant 0 : i32
          %select_n3A_180 = arith.select %eq3A_178, %select_n3A_179, %select_n3A_177 : i32
          %add3A_181 = arith.addi %select_n3A_180, %select_n3A_14 : i32
          %ne3A = arith.cmpi ne, %add3A_155, %add3A_173 : i32
          %or3A = arith.constant false
          %or3A_182 = arith.ori %or3A, %ne3A : i1
          %sub3A_183 = arith.constant 2 : i32
          %sub3A_184 = arith.subi %mul3A_149, %sub3A_183 : i32
          %add3A_185 = arith.constant 1 : i32
          %add3A_186 = arith.addi %sub3A_184, %add3A_185 : i32
          %ge3A = arith.cmpi sge, %while3A_142, %add3A_186 : i32
          %not3A = arith.constant true
          %not3A_187 = arith.xori %ge3A, %not3A : i1
          %and3A = arith.andi %or3A_182, %not3A_187 : i1
          %convert_element_type3A_188 = arith.extui %and3A : i1 to i32
          %cond3A_189 = arith.constant 0 : i32
          %cond3A_190 = arith.cmpi ne, %convert_element_type3A_188, %cond3A_189 : i32
          scf.if %cond3A_190 {
            "tpu.trace_start"() <{level = 10 : i32, message = "ep_copy_in"}> : () -> ()
            %rem3A_289 = arith.constant 2 : i32
            %rem3A_290 = arith.remui %while3A_143, %rem3A_289 : i32
            %mul3A_291 = arith.constant 2000 : i32
            %mul3A_292 = arith.muli %mul3A_291, %add3A_173 : i32
            %dma_start3A_293 = arith.constant 0 : i32
            %dma_start3A_294 = arith.constant 0 : i32
            %dma_start3A_295 = tpu.memref_slice %run_scoped3A[%rem3A_290, %dma_start3A_293, %dma_start3A_294] : memref<2x2x2000xf32, #tpu.memory_space<vmem>> -> memref<1x2x2000xf32, #tpu.memory_space<vmem>>
            %dma_start3A_296 = tpu.memref_squeeze %dma_start3A_295 : memref<1x2x2000xf32, #tpu.memory_space<vmem>> -> memref<2x2000xf32, #tpu.memory_space<vmem>>
            %dma_start3A_297 = arith.constant 0 : i32
            %dma_start3A_298 = tpu.memref_slice %arg2[%dma_start3A_297, %mul3A_292] : memref<2x1000000xf32, #tpu.memory_space<hbm>> -> memref<2x2000xf32, #tpu.memory_space<hbm>>
            %dma_start3A_299 = tpu.memref_slice %run_scoped3A_17[%rem3A_290] : memref<2x!tpu.dma_semaphore, #tpu.memory_space<semaphore_mem>> -> memref<1x!tpu.dma_semaphore, #tpu.memory_space<semaphore_mem>>
            %dma_start3A_300 = tpu.memref_squeeze %dma_start3A_299 : memref<1x!tpu.dma_semaphore, #tpu.memory_space<semaphore_mem>> -> memref<!tpu.dma_semaphore, #tpu.memory_space<semaphore_mem>>
            %dma_start3A_301 = arith.constant 0 : i32
            %dma_start3A_302 = arith.constant 0 : i32
            %dma_start3A_303 = tpu.memref_slice %run_scoped3A[%rem3A_290, %dma_start3A_301, %dma_start3A_302] : memref<2x2x2000xf32, #tpu.memory_space<vmem>> -> memref<1x2x2000xf32, #tpu.memory_space<vmem>>
            %dma_start3A_304 = tpu.memref_squeeze %dma_start3A_303 : memref<1x2x2000xf32, #tpu.memory_space<vmem>> -> memref<2x2000xf32, #tpu.memory_space<vmem>>
            %dma_start3A_305 = arith.constant 0 : i32
            %dma_start3A_306 = tpu.memref_slice %arg2[%dma_start3A_305, %mul3A_292] : memref<2x1000000xf32, #tpu.memory_space<hbm>> -> memref<2x2000xf32, #tpu.memory_space<hbm>>
            tpu.enqueue_dma source(%dma_start3A_306 : memref<2x2000xf32, #tpu.memory_space<hbm>>) target(%dma_start3A_304 : memref<2x2000xf32, #tpu.memory_space<vmem>>) target_semaphore(%dma_start3A_300 : memref<!tpu.dma_semaphore, #tpu.memory_space<semaphore_mem>>)
            "tpu.trace_stop"() : () -> ()
          } else {
          }
          %and3A_191 = arith.constant true
          %and3A_192 = arith.andi %and3A, %and3A_191 : i1
          %add3A_193 = arith.constant 1 : i32
          %add3A_194 = arith.addi %while3A_143, %add3A_193 : i32
          %select_n3A_195 = arith.select %and3A_192, %add3A_194, %while3A_143 : i32
          %ne3A_196 = arith.cmpi ne, %add3A_155, %add3A_173 : i32
          %or3A_197 = arith.constant false
          %or3A_198 = arith.ori %or3A_197, %ne3A_196 : i1
          %sub3A_199 = arith.constant 2 : i32
          %sub3A_200 = arith.subi %mul3A_149, %sub3A_199 : i32
          %add3A_201 = arith.constant 1 : i32
          %add3A_202 = arith.addi %sub3A_200, %add3A_201 : i32
          %ge3A_203 = arith.cmpi sge, %while3A_142, %add3A_202 : i32
          %not3A_204 = arith.constant true
          %not3A_205 = arith.xori %ge3A_203, %not3A_204 : i1
          %and3A_206 = arith.andi %or3A_198, %not3A_205 : i1
          %ne3A_207 = arith.cmpi ne, %add3A_155, %add3A_165 : i32
          %or3A_208 = arith.constant false
          %or3A_209 = arith.ori %or3A_208, %ne3A_207 : i1
          %or3A_210 = arith.ori %or3A_209, %eq3A_151 : i1
          %convert_element_type3A_211 = arith.extui %or3A_210 : i1 to i32
          %cond3A_212 = arith.constant 0 : i32
          %cond3A_213 = arith.cmpi ne, %convert_element_type3A_211, %cond3A_212 : i32
          scf.if %cond3A_213 {
            "tpu.trace_start"() <{level = 10 : i32, message = "ep_wait_in"}> : () -> ()
            %mul3A_289 = arith.constant 2000 : i32
            %mul3A_290 = arith.muli %mul3A_289, %add3A_155 : i32
            %rem3A_291 = arith.constant 2 : i32
            %rem3A_292 = arith.remui %while3A_144, %rem3A_291 : i32
            %dma_wait3A = arith.constant 0 : i32
            %dma_wait3A_293 = arith.constant 0 : i32
            %dma_wait3A_294 = tpu.memref_slice %run_scoped3A[%rem3A_292, %dma_wait3A, %dma_wait3A_293] : memref<2x2x2000xf32, #tpu.memory_space<vmem>> -> memref<1x2x2000xf32, #tpu.memory_space<vmem>>
            %dma_wait3A_295 = tpu.memref_squeeze %dma_wait3A_294 : memref<1x2x2000xf32, #tpu.memory_space<vmem>> -> memref<2x2000xf32, #tpu.memory_space<vmem>>
            %dma_wait3A_296 = arith.constant 0 : i32
            %dma_wait3A_297 = tpu.memref_slice %arg2[%dma_wait3A_296, %mul3A_290] : memref<2x1000000xf32, #tpu.memory_space<hbm>> -> memref<2x2000xf32, #tpu.memory_space<hbm>>
            %dma_wait3A_298 = tpu.memref_slice %run_scoped3A_17[%rem3A_292] : memref<2x!tpu.dma_semaphore, #tpu.memory_space<semaphore_mem>> -> memref<1x!tpu.dma_semaphore, #tpu.memory_space<semaphore_mem>>
            %dma_wait3A_299 = tpu.memref_squeeze %dma_wait3A_298 : memref<1x!tpu.dma_semaphore, #tpu.memory_space<semaphore_mem>> -> memref<!tpu.dma_semaphore, #tpu.memory_space<semaphore_mem>>
            %dma_wait3A_300 = arith.constant 0 : i32
            %dma_wait3A_301 = arith.constant 0 : i32
            %dma_wait3A_302 = tpu.memref_slice %run_scoped3A[%rem3A_292, %dma_wait3A_300, %dma_wait3A_301] : memref<2x2x2000xf32, #tpu.memory_space<vmem>> -> memref<1x2x2000xf32, #tpu.memory_space<vmem>>
            %dma_wait3A_303 = tpu.memref_squeeze %dma_wait3A_302 : memref<1x2x2000xf32, #tpu.memory_space<vmem>> -> memref<2x2000xf32, #tpu.memory_space<vmem>>
            %dma_wait3A_304 = arith.constant 0 : i32
            %dma_wait3A_305 = tpu.memref_slice %arg2[%dma_wait3A_304, %mul3A_290] : memref<2x1000000xf32, #tpu.memory_space<hbm>> -> memref<2x2000xf32, #tpu.memory_space<hbm>>
            tpu.wait_dma2 semaphore(%dma_wait3A_299 : memref<!tpu.dma_semaphore, #tpu.memory_space<semaphore_mem>>) src(%dma_wait3A_305 : memref<2x2000xf32, #tpu.memory_space<hbm>>) dst(%dma_wait3A_303 : memref<2x2000xf32, #tpu.memory_space<vmem>>)
            "tpu.trace_stop"() : () -> ()
          } else {
          }
          %ne3A_214 = arith.cmpi ne, %add3A_155, %add3A_165 : i32
          %or3A_215 = arith.constant false
          %or3A_216 = arith.ori %or3A_215, %ne3A_214 : i1
          %or3A_217 = arith.ori %or3A_216, %eq3A_151 : i1
          %convert_element_type3A_218 = arith.extui %or3A_217 : i1 to i32
          %cond3A_219 = arith.constant 0 : i32
          %cond3A_220 = arith.cmpi ne, %convert_element_type3A_218, %cond3A_219 : i32
          scf.if %cond3A_220 {
          } else {
          }
          %rem3A_221 = arith.constant 2 : i32
          %rem3A_222 = arith.remui %while3A_144, %rem3A_221 : i32
          %rem3A_223 = arith.constant 2 : i32
          %rem3A_224 = arith.remui %while3A_145, %rem3A_223 : i32
          %mul3A_225 = arith.constant 2000 : i32
          %mul3A_226 = arith.muli %rem3A_224, %mul3A_225 : i32
          %parallel_loop3A = arith.constant 0 : i32
          %parallel_loop3A_227 = arith.constant 125 : i32
          %parallel_loop3A_228 = arith.constant 1 : i32
          "tpu.trace_start"() <{level = 10 : i32, message = "ep_run_kernel"}> : () -> ()
          scf.for %parallel_loop3A_289 = %parallel_loop3A to %parallel_loop3A_227 step %parallel_loop3A_228  : i32 {
            %parallel_loop3A_290 = arith.constant 16 : i32
            %parallel_loop3A_291 = arith.muli %parallel_loop3A_289, %parallel_loop3A_290 : i32
            %parallel_loop3A_292 = arith.constant 0 : i32
            %parallel_loop3A_293 = arith.constant 0 : i32
            %parallel_loop3A_294 = arith.constant 0 : i32
            %parallel_loop3A_295 = tpu.memref_slice %run_scoped3A[%rem3A_222, %parallel_loop3A_293, %parallel_loop3A_294] : memref<2x2x2000xf32, #tpu.memory_space<vmem>> -> memref<1x2x2000xf32, #tpu.memory_space<vmem>>
            %parallel_loop3A_296 = tpu.memref_squeeze %parallel_loop3A_295 : memref<1x2x2000xf32, #tpu.memory_space<vmem>> -> memref<2x2000xf32, #tpu.memory_space<vmem>>
            %parallel_loop3A_297 = arith.index_cast %parallel_loop3A_292 : i32 to index
            %parallel_loop3A_298 = arith.index_cast %parallel_loop3A_291 : i32 to index
            %parallel_loop3A_299 = tpu.vector_load %parallel_loop3A_296[%parallel_loop3A_297, %parallel_loop3A_298] {strides = array<i32>} : memref<2x2000xf32, #tpu.memory_space<vmem>>, vector<16xf32>,
            %parallel_loop3A_300 = arith.constant 1 : i32
            %parallel_loop3A_301 = arith.constant 0 : i32
            %parallel_loop3A_302 = arith.constant 0 : i32
            %parallel_loop3A_303 = tpu.memref_slice %run_scoped3A[%rem3A_222, %parallel_loop3A_301, %parallel_loop3A_302] : memref<2x2x2000xf32, #tpu.memory_space<vmem>> -> memref<1x2x2000xf32, #tpu.memory_space<vmem>>
            %parallel_loop3A_304 = tpu.memref_squeeze %parallel_loop3A_303 : memref<1x2x2000xf32, #tpu.memory_space<vmem>> -> memref<2x2000xf32, #tpu.memory_space<vmem>>
            %parallel_loop3A_305 = arith.index_cast %parallel_loop3A_300 : i32 to index
            %parallel_loop3A_306 = arith.index_cast %parallel_loop3A_291 : i32 to index
            %parallel_loop3A_307 = tpu.vector_load %parallel_loop3A_304[%parallel_loop3A_305, %parallel_loop3A_306] {strides = array<i32>} : memref<2x2000xf32, #tpu.memory_space<vmem>>, vector<16xf32>,
            %parallel_loop3A_308 = math.absf %parallel_loop3A_299 : vector<16xf32>
            %parallel_loop3A_309 = arith.constant 3.000000e+00 : f32
            %parallel_loop3A_310 = vector.broadcast %parallel_loop3A_309 : f32 to vector<16xf32>
            %parallel_loop3A_311 = arith.cmpf ole, %parallel_loop3A_308, %parallel_loop3A_310 : vector<16xf32>
            %parallel_loop3A_312 = math.absf %parallel_loop3A_307 : vector<16xf32>
            %parallel_loop3A_313 = arith.constant 1.500000e+00 : f32
            %parallel_loop3A_314 = vector.broadcast %parallel_loop3A_313 : f32 to vector<16xf32>
            %parallel_loop3A_315 = arith.cmpf ole, %parallel_loop3A_312, %parallel_loop3A_314 : vector<16xf32>
            %parallel_loop3A_316 = arith.andi %parallel_loop3A_311, %parallel_loop3A_315 : vector<16xi1>
            %parallel_loop3A_317 = arith.constant 1.000000e+03 : f32
            %parallel_loop3A_318 = arith.constant 0.000000e+00 : f32
            %parallel_loop3A_319 = vector.broadcast %parallel_loop3A_317 : f32 to vector<16xf32>
            %parallel_loop3A_320 = vector.broadcast %parallel_loop3A_318 : f32 to vector<16xf32>
            %parallel_loop3A_321 = arith.select %parallel_loop3A_316, %parallel_loop3A_319, %parallel_loop3A_320 : vector<16xi1>, vector<16xf32>
            %parallel_loop3A_322 = tpu.memref_slice %run_scoped3A_18[%mul3A_226] : memref<4000xf32, #tpu.memory_space<vmem>> -> memref<2000xf32, #tpu.memory_space<vmem>>
            %parallel_loop3A_323 = arith.index_cast %parallel_loop3A_291 : i32 to index
            %parallel_loop3A_324 = tpu.vector_load %parallel_loop3A_322[%parallel_loop3A_323] {strides = array<i32>} : memref<2000xf32, #tpu.memory_space<vmem>>, vector<16xf32>,
            tpu.vector_store %parallel_loop3A_322[%parallel_loop3A_323], %parallel_loop3A_321 {strides = array<i32>} : memref<2000xf32, #tpu.memory_space<vmem>>, vector<16xf32>,
          } {sc.loop_unroll_factor = 4 : i64, sc.parallel_access}
          "tpu.trace_stop"() : () -> ()
          %ne3A_229 = arith.cmpi ne, %add3A_155, %add3A_173 : i32
          %or3A_230 = arith.constant false
          %or3A_231 = arith.ori %or3A_230, %ne3A_229 : i1
          %or3A_232 = arith.ori %or3A_231, %eq3A_154 : i1
          %convert_element_type3A_233 = arith.extui %or3A_232 : i1 to i32
          %cond3A_234 = arith.constant 0 : i32
          %cond3A_235 = arith.cmpi ne, %convert_element_type3A_233, %cond3A_234 : i32
          scf.if %cond3A_235 {
          } else {
          }
          %and3A_236 = arith.constant false
          %and3A_237 = arith.andi %or3A_232, %and3A_236 : i1
          %ne3A_238 = arith.cmpi ne, %add3A_155, %add3A_173 : i32
          %or3A_239 = arith.constant false
          %or3A_240 = arith.ori %or3A_239, %ne3A_238 : i1
          %or3A_241 = arith.ori %or3A_240, %eq3A_154 : i1
          %convert_element_type3A_242 = arith.extui %or3A_241 : i1 to i32
          %cond3A_243 = arith.constant 0 : i32
          %cond3A_244 = arith.cmpi ne, %convert_element_type3A_242, %cond3A_243 : i32
          scf.if %cond3A_244 {
            "tpu.trace_start"() <{level = 10 : i32, message = "ep_copy_out"}> : () -> ()
            %rem3A_289 = arith.constant 2 : i32
            %rem3A_290 = arith.remui %while3A_145, %rem3A_289 : i32
            %mul3A_291 = arith.constant 2000 : i32
            %mul3A_292 = arith.muli %mul3A_291, %add3A_155 : i32
            %mul3A_293 = arith.constant 2000 : i32
            %mul3A_294 = arith.muli %rem3A_290, %mul3A_293 : i32
            %add3A_295 = arith.constant 0 : i32
            %add3A_296 = arith.addi %mul3A_294, %add3A_295 : i32
            %dma_start3A_297 = tpu.memref_slice %run_scoped3A_18[%add3A_296] : memref<4000xf32, #tpu.memory_space<vmem>> -> memref<2000xf32, #tpu.memory_space<vmem>>
            %dma_start3A_298 = tpu.memref_slice %arg3[%mul3A_292] : memref<1000000xf32, #tpu.memory_space<hbm>> -> memref<2000xf32, #tpu.memory_space<hbm>>
            %dma_start3A_299 = tpu.memref_slice %run_scoped3A_19[%rem3A_290] : memref<2x!tpu.dma_semaphore, #tpu.memory_space<semaphore_mem>> -> memref<1x!tpu.dma_semaphore, #tpu.memory_space<semaphore_mem>>
            %dma_start3A_300 = tpu.memref_squeeze %dma_start3A_299 : memref<1x!tpu.dma_semaphore, #tpu.memory_space<semaphore_mem>> -> memref<!tpu.dma_semaphore, #tpu.memory_space<semaphore_mem>>
            %dma_start3A_301 = tpu.memref_slice %arg3[%mul3A_292] : memref<1000000xf32, #tpu.memory_space<hbm>> -> memref<2000xf32, #tpu.memory_space<hbm>>
            %dma_start3A_302 = tpu.memref_slice %run_scoped3A_18[%add3A_296] : memref<4000xf32, #tpu.memory_space<vmem>> -> memref<2000xf32, #tpu.memory_space<vmem>>
            tpu.enqueue_dma source(%dma_start3A_302 : memref<2000xf32, #tpu.memory_space<vmem>>) target(%dma_start3A_301 : memref<2000xf32, #tpu.memory_space<hbm>>) target_semaphore(%dma_start3A_300 : memref<!tpu.dma_semaphore, #tpu.memory_space<semaphore_mem>>)
            "tpu.trace_stop"() : () -> ()
          } else {
          }
          %and3A_245 = arith.constant true
          %and3A_246 = arith.andi %or3A_241, %and3A_245 : i1
          %add3A_247 = arith.constant 1 : i32
          %add3A_248 = arith.addi %while3A_145, %add3A_247 : i32
          %select_n3A_249 = arith.select %and3A_246, %add3A_248, %while3A_145 : i32
          %ne3A_250 = arith.cmpi ne, %add3A_155, %add3A_165 : i32
          %or3A_251 = arith.constant false
          %or3A_252 = arith.ori %or3A_251, %ne3A_250 : i1
          %not3A_253 = arith.constant true
          %not3A_254 = arith.xori %eq3A_151, %not3A_253 : i1
          %and3A_255 = arith.andi %or3A_252, %not3A_254 : i1
          %convert_element_type3A_256 = arith.extui %and3A_255 : i1 to i32
          %cond3A_257 = arith.constant 0 : i32
          %cond3A_258 = arith.cmpi ne, %convert_element_type3A_256, %cond3A_257 : i32
          scf.if %cond3A_258 {
          } else {
          }
          %and3A_259 = arith.constant false
          %and3A_260 = arith.andi %and3A_255, %and3A_259 : i1
          %ne3A_261 = arith.cmpi ne, %add3A_155, %add3A_165 : i32
          %or3A_262 = arith.constant false
          %or3A_263 = arith.ori %or3A_262, %ne3A_261 : i1
          %not3A_264 = arith.constant true
          %not3A_265 = arith.xori %eq3A_151, %not3A_264 : i1
          %and3A_266 = arith.andi %or3A_263, %not3A_265 : i1
          %convert_element_type3A_267 = arith.extui %and3A_266 : i1 to i32
          %cond3A_268 = arith.constant 0 : i32
          %cond3A_269 = arith.cmpi ne, %convert_element_type3A_267, %cond3A_268 : i32
          scf.if %cond3A_269 {
            "tpu.trace_start"() <{level = 10 : i32, message = "ep_wait_out"}> : () -> ()
            %rem3A_289 = arith.constant 2 : i32
            %rem3A_290 = arith.remui %while3A_146, %rem3A_289 : i32
            %mul3A_291 = arith.constant 2000 : i32
            %mul3A_292 = arith.muli %mul3A_291, %add3A_165 : i32
            %mul3A_293 = arith.constant 2000 : i32
            %mul3A_294 = arith.muli %rem3A_290, %mul3A_293 : i32
            %add3A_295 = arith.constant 0 : i32
            %add3A_296 = arith.addi %mul3A_294, %add3A_295 : i32
            %dma_wait3A = tpu.memref_slice %run_scoped3A_18[%add3A_296] : memref<4000xf32, #tpu.memory_space<vmem>> -> memref<2000xf32, #tpu.memory_space<vmem>>
            %dma_wait3A_297 = tpu.memref_slice %arg3[%mul3A_292] : memref<1000000xf32, #tpu.memory_space<hbm>> -> memref<2000xf32, #tpu.memory_space<hbm>>
            %dma_wait3A_298 = tpu.memref_slice %run_scoped3A_19[%rem3A_290] : memref<2x!tpu.dma_semaphore, #tpu.memory_space<semaphore_mem>> -> memref<1x!tpu.dma_semaphore, #tpu.memory_space<semaphore_mem>>
            %dma_wait3A_299 = tpu.memref_squeeze %dma_wait3A_298 : memref<1x!tpu.dma_semaphore, #tpu.memory_space<semaphore_mem>> -> memref<!tpu.dma_semaphore, #tpu.memory_space<semaphore_mem>>
            %dma_wait3A_300 = tpu.memref_slice %arg3[%mul3A_292] : memref<1000000xf32, #tpu.memory_space<hbm>> -> memref<2000xf32, #tpu.memory_space<hbm>>
            %dma_wait3A_301 = tpu.memref_slice %run_scoped3A_18[%add3A_296] : memref<4000xf32, #tpu.memory_space<vmem>> -> memref<2000xf32, #tpu.memory_space<vmem>>
            tpu.wait_dma2 semaphore(%dma_wait3A_299 : memref<!tpu.dma_semaphore, #tpu.memory_space<semaphore_mem>>) src(%dma_wait3A_301 : memref<2000xf32, #tpu.memory_space<vmem>>) dst(%dma_wait3A_300 : memref<2000xf32, #tpu.memory_space<hbm>>)
            "tpu.trace_stop"() : () -> ()
          } else {
          }
          %and3A_270 = arith.constant true
          %and3A_271 = arith.andi %and3A_266, %and3A_270 : i1
          %add3A_272 = arith.constant 1 : i32
          %add3A_273 = arith.addi %while3A_146, %add3A_272 : i32
          %select_n3A_274 = arith.select %and3A_271, %add3A_273, %while3A_146 : i32
          %ne3A_275 = arith.cmpi ne, %add3A_155, %add3A_173 : i32
          %or3A_276 = arith.constant false
          %or3A_277 = arith.ori %or3A_276, %ne3A_275 : i1
          %or3A_278 = arith.ori %or3A_277, %eq3A_154 : i1
          %add3A_279 = arith.constant 1 : i32
          %add3A_280 = arith.addi %while3A_144, %add3A_279 : i32
          %select_n3A_281 = arith.select %or3A_278, %add3A_280, %while3A_144 : i32
          %add3A_282 = arith.constant 1 : i32
          %add3A_283 = arith.addi %while3A_147, %add3A_282 : i32
          %select_n3A_284 = arith.constant true
          %select_n3A_285 = arith.select %select_n3A_284, %add3A_283, %while3A_147 : i32
          %eq3A_286 = arith.cmpi eq, %select_n3A_285, %select_n3A : i32
          %select_n3A_287 = arith.constant 0 : i32
          %select_n3A_288 = arith.select %eq3A_286, %select_n3A_287, %select_n3A_285 : i32
          scf.yield %select_n3A_195, %select_n3A_281, %select_n3A_249, %select_n3A_274, %select_n3A_288 : i32, i32, i32, i32, i32
        }
        %sub3A_91 = arith.constant 1 : i32
        %sub3A_92 = arith.subi %while3A_90#4, %sub3A_91 : i32
        %select_n3A_93 = arith.constant true
        %select_n3A_94 = arith.select %select_n3A_93, %sub3A_92, %while3A_90#4 : i32
        %eq3A_95 = arith.constant -1 : i32
        %eq3A_96 = arith.cmpi eq, %select_n3A_94, %eq3A_95 : i32
        %sub3A_97 = arith.constant 1 : i32
        %sub3A_98 = arith.subi %select_n3A, %sub3A_97 : i32
        %select_n3A_99 = arith.select %eq3A_96, %sub3A_98, %select_n3A_94 : i32
        %sub3A_100 = arith.constant 1 : i32
        %sub3A_101 = arith.subi %mul3A_16, %sub3A_100 : i32
        %mul3A_102 = arith.constant 1 : i32
        %mul3A_103 = arith.muli %mul3A_102, %select_n3A : i32
        %eq3A_104 = arith.constant 0 : i32
        %eq3A_105 = arith.cmpi eq, %sub3A_101, %eq3A_104 : i32
        %sub3A_106 = arith.constant 1 : i32
        %sub3A_107 = arith.subi %mul3A_103, %sub3A_106 : i32
        %eq3A_108 = arith.cmpi eq, %sub3A_101, %sub3A_107 : i32
        %add3A_109 = arith.addi %select_n3A_99, %select_n3A_14 : i32
        %sub3A_110 = arith.constant 1 : i32
        %sub3A_111 = arith.subi %select_n3A_99, %sub3A_110 : i32
        %select_n3A_112 = arith.constant true
        %select_n3A_113 = arith.select %select_n3A_112, %sub3A_111, %select_n3A_99 : i32
        %eq3A_114 = arith.constant -1 : i32
        %eq3A_115 = arith.cmpi eq, %select_n3A_113, %eq3A_114 : i32
        %sub3A_116 = arith.constant 1 : i32
        %sub3A_117 = arith.subi %select_n3A, %sub3A_116 : i32
        %select_n3A_118 = arith.select %eq3A_115, %sub3A_117, %select_n3A_113 : i32
        %add3A_119 = arith.addi %select_n3A_118, %select_n3A_14 : i32
        %add3A_120 = arith.constant 1 : i32
        %add3A_121 = arith.addi %select_n3A_99, %add3A_120 : i32
        %select_n3A_122 = arith.constant true
        %select_n3A_123 = arith.select %select_n3A_122, %add3A_121, %select_n3A_99 : i32
        %eq3A_124 = arith.cmpi eq, %select_n3A_123, %select_n3A : i32
        %select_n3A_125 = arith.constant 0 : i32
        %select_n3A_126 = arith.select %eq3A_124, %select_n3A_125, %select_n3A_123 : i32
        %add3A_127 = arith.addi %select_n3A_126, %select_n3A_14 : i32
        %add3A_128 = arith.constant 1 : i32
        %add3A_129 = arith.addi %select_n3A_126, %add3A_128 : i32
        %select_n3A_130 = arith.constant true
        %select_n3A_131 = arith.select %select_n3A_130, %add3A_129, %select_n3A_126 : i32
        %eq3A_132 = arith.cmpi eq, %select_n3A_131, %select_n3A : i32
        %select_n3A_133 = arith.constant 0 : i32
        %select_n3A_134 = arith.select %eq3A_132, %select_n3A_133, %select_n3A_131 : i32
        %add3A_135 = arith.addi %select_n3A_134, %select_n3A_14 : i32
        %convert_element_type3A_136 = arith.extui %eq3A_108 : i1 to i32
        %cond3A_137 = arith.constant 0 : i32
        %cond3A_138 = arith.cmpi ne, %convert_element_type3A_136, %cond3A_137 : i32
        scf.if %cond3A_138 {
        } else {
        }
        %convert_element_type3A_139 = arith.extui %eq3A_108 : i1 to i32
        %cond3A_140 = arith.constant 0 : i32
        %cond3A_141 = arith.cmpi ne, %convert_element_type3A_139, %cond3A_140 : i32
        scf.if %cond3A_141 {
          "tpu.trace_start"() <{level = 10 : i32, message = "ep_finalize"}> : () -> ()
          %rem3A_142 = arith.constant 2 : i32
          %rem3A_143 = arith.remui %while3A_90#3, %rem3A_142 : i32
          %mul3A_144 = arith.constant 2000 : i32
          %mul3A_145 = arith.muli %mul3A_144, %add3A_109 : i32
          %mul3A_146 = arith.constant 2000 : i32
          %mul3A_147 = arith.muli %rem3A_143, %mul3A_146 : i32
          %add3A_148 = arith.constant 0 : i32
          %add3A_149 = arith.addi %mul3A_147, %add3A_148 : i32
          %dma_wait3A = tpu.memref_slice %run_scoped3A_18[%add3A_149] : memref<4000xf32, #tpu.memory_space<vmem>> -> memref<2000xf32, #tpu.memory_space<vmem>>
          %dma_wait3A_150 = tpu.memref_slice %arg3[%mul3A_145] : memref<1000000xf32, #tpu.memory_space<hbm>> -> memref<2000xf32, #tpu.memory_space<hbm>>
          %dma_wait3A_151 = tpu.memref_slice %run_scoped3A_19[%rem3A_143] : memref<2x!tpu.dma_semaphore, #tpu.memory_space<semaphore_mem>> -> memref<1x!tpu.dma_semaphore, #tpu.memory_space<semaphore_mem>>
          %dma_wait3A_152 = tpu.memref_squeeze %dma_wait3A_151 : memref<1x!tpu.dma_semaphore, #tpu.memory_space<semaphore_mem>> -> memref<!tpu.dma_semaphore, #tpu.memory_space<semaphore_mem>>
          %dma_wait3A_153 = tpu.memref_slice %arg3[%mul3A_145] : memref<1000000xf32, #tpu.memory_space<hbm>> -> memref<2000xf32, #tpu.memory_space<hbm>>
          %dma_wait3A_154 = tpu.memref_slice %run_scoped3A_18[%add3A_149] : memref<4000xf32, #tpu.memory_space<vmem>> -> memref<2000xf32, #tpu.memory_space<vmem>>
          tpu.wait_dma2 semaphore(%dma_wait3A_152 : memref<!tpu.dma_semaphore, #tpu.memory_space<semaphore_mem>>) src(%dma_wait3A_154 : memref<2000xf32, #tpu.memory_space<vmem>>) dst(%dma_wait3A_153 : memref<2000xf32, #tpu.memory_space<hbm>>)
          "tpu.trace_stop"() : () -> ()
        } else {
        }
      } else {
      }
      tpu.yield
    }) : () -> ()
    return
  }
}

</mosaic_0001>

<sc_bundles>
// kernel: kernel.3.cloned.1.call-start
scs
__scs_entry_jumppad:
0x0: {  	(pc) =	sbr.rel $0x88, $3  }
0x1: {  	(tag) =	ssettag $0x0;
	lr =	simm.s32 $0x1  }
0x2: {  	[smem:$0x3FA0] =	sst lr;
	_ =	strace $0xD0000000  }
0x3: {  	_ = 	snop  }
0x4: {  	_ = 	snop  }
0x5: {  	_ = 	snop  }
0x6: {  	_ = 	snop  }
0x7: {  	_ = 	snop  }
__scs_overlays_trampoline_lowered:
0x8: {  	[smem:$0x3FAF] =	sst s0  }
0x9: {  	[smem:$0x3FB0] =	sst s1  }
0xa: {  	[smem:$0x3FB1] =	sst s2  }
0xb: {  	[smem:$0x3FB2] =	sst s3  }
0xc: {  	[smem:$0x3FB3] =	sst s4  }
0xd: {  	[smem:$0x3FB4] =	sst s5  }
0xe: {  	[smem:$0x3FB5] =	sst s6  }
0xf: {  	[smem:$0x3FB6] =	sst s7  }
0x10: {  	[smem:$0x3FB7] =	sst s8  }
0x11: {  	[smem:$0x3FB8] =	sst s9;
	s0 =	simm.s32 @!p0 $0x0  }
0x12: {  	s1 =	sld [smem:$0x3F9E];
	s0 =	simm.s32 @p0 $0x1  }
0x13: {  	[smem:$0x3FB9] =	sst s0;
	s0 =	simm.s32 @!p1 $0x0  }
0x14: {  	s2 =	sld [smem:$0x3F9D];
	s0 =	simm.s32 @p1 $0x1  }
0x15: {  	[smem:$0x3FBA] =	sst s0;
	s0 =	simm.s32 @!p2 $0x0  }
0x16: {  	s3 =	sld [smem:$0x3FDB];
	s0 =	simm.s32 @p2 $0x1  }
0x17: {  	s4 =	simm.s32 $0x1BF5;
	[smem:$0x3FBC] =	sst s0  }
0x18: {  	s0 =	sld [smem:$0x3F9F];
	_ =	swait.ge [sflag:s4], $0x0  }
0x19: {  	s7 =	sld [smem:$0x3FA0]  }
0x1a: {  	s8 =	sadd.s32 $0xFFFFE003, lr  }
0x1b: {  	s9 =	sadd.s32 $0xFFFFFEF7, lr;
	s5 =	simm.s32 $0xFFFFFFFF;
	p2 =	slt.u32 s8, $0xFFFFF086  }
0x1c: {  	p1 =	slt.u32 s9, $0xF7A;
	s5 =	simm.s32 @!p2 $0x0  }
0x1d: {  	s5 =	simm.s32 @p1 $0x1;
	p0 =	seq.s32 s7, s2  }
0x1e: {  	s7 =	smul.u32 @!p0 $0xF7A, s2;
	p2 =	seq.s32 @!p0 s5, $0x0  }
0x1f: {  	s9 =	smul.u32 $0xF7A, s1;
	s8 =	simm.s32 @!p0 $0x1BF5;
	p2 =	por !p2, p0  }
0x20: {  	[sflag:s8] =	ssyncset.s32 @!p0 $0xFFFFF086;
	s6 =	sadd.s32 @!p0 s3, s7;
	s7 =	simm.s32 @!p0 $0x108  }
0x21: {  	s3 =	sadd.s32 s3, s9;
	s6 =	sadd.s32 @!p0 $0x88, s6;
	s7 =	simm.s32 @p2 $0x1082  }
0x22: {  	[simem:s7], [sflag:s8] =	dma.local @!p0 [hbm:s6], $0xF7A  }
0x23: {  	s9 =	sor.u32 $0xD0000000, s2;
	s6 =	simm.s32 $0x108;
	_ =	swait.ge @!p0 [sflag:s8], $0x0  }
0x24: {  	s3 =	sadd.s32 $0x88, s3;
	s6 =	simm.s32 @!p1 $0x1082;
	[sflag:s4] =	ssyncset.s32 $0xFFFFF086  }
0x25: {  	[simem:s6], [sflag:s4] =	dma.local [hbm:s3], $0xF7A  }
0x26: {  	[smem:$0x3FA0] =	sst s1;
	(tag) =	ssettag s2;
	_ =	strace s9  }
0x27: {  	s1 =	sld [smem:$0x3FB0]  }
0x28: {  	s2 =	sld [smem:$0x3FB1]  }
0x29: {  	s4 =	sld [smem:$0x3FB3]  }
0x2a: {  	p0 =	seq.s32 s5, $0x0;
	s5 =	sld [smem:$0x3FB4]  }
0x2b: {  	s6 =	sld [smem:$0x3FB5]  }
0x2c: {  	s7 =	sld [smem:$0x3FB6]  }
0x2d: {  	s3 =	simm.s32 $0x108;
	s8 =	sld [smem:$0x3FB7]  }
0x2e: {  	s3 =	simm.s32 @!p0 $0x1082;
	s9 =	sld [smem:$0x3FB8]  }
0x2f: {  	lr =	sadd.s32 s0, s3;
	s0 =	sld [smem:$0x3FAF]  }
0x30: {  	s3 =	sld [smem:$0x3FB2]  }
0x31: {  	[smem:$0x3FBB] =	sst s10  }
0x32: {  	s10 =	sld [smem:$0x3FB9];
	_ =	sdelay $0x3  }
0x33: {  	p0 =	seq.s32 s10, $0x1;
	s10 =	sld [smem:$0x3FBB];
	_ =	sdelay $0x3  }
0x34: {  	[smem:$0x3FBB] =	sst s10  }
0x35: {  	s10 =	sld [smem:$0x3FBA];
	_ =	sdelay $0x3  }
0x36: {  	p1 =	seq.s32 s10, $0x1;
	s10 =	sld [smem:$0x3FBB];
	_ =	sdelay $0x3  }
0x37: {  	[smem:$0x3FBB] =	sst s10  }
0x38: {  	s10 =	sld [smem:$0x3FBC]  }
0x39: {  	_ = 	snop;
	(pc) =	sbr.ind lr, $3  }
0x3a: {  	_ = 	snop  }
0x3b: {  	_ = 	snop  }
0x3c: {  	p2 =	seq.s32 s10, $0x1;
	s10 =	sld [smem:$0x3FBB]  }
0x3d: {  	_ =	shalt  }
0x3e: {  	_ =	shalt  }
0x3f: {  	_ =	shalt  }
0x40: {  	_ =	shalt  }
0x41: {  	_ =	shalt  }
0x42: {  	_ =	shalt  }
0x43: {  	_ =	shalt  }
0x44: {  	_ =	shalt  }
0x45: {  	_ =	shalt  }
0x46: {  	_ =	shalt  }
0x47: {  	_ =	shalt  }
0x48: {  	_ =	shalt  }
0x49: {  	_ =	shalt  }
0x4a: {  	_ =	shalt  }
0x4b: {  	_ =	shalt  }
0x4c: {  	_ =	shalt  }
0x4d: {  	_ =	shalt  }
0x4e: {  	_ =	shalt  }
0x4f: {  	_ =	shalt  }
0x50: {  	_ =	shalt  }
0x51: {  	_ =	shalt  }
0x52: {  	_ =	shalt  }
0x53: {  	_ =	shalt  }
0x54: {  	_ =	shalt  }
0x55: {  	_ =	shalt  }
0x56: {  	_ =	shalt  }
0x57: {  	_ =	shalt  }
0x58: {  	_ =	shalt  }
0x59: {  	_ =	shalt  }
0x5a: {  	_ =	shalt  }
0x5b: {  	_ =	shalt  }
0x5c: {  	_ =	shalt  }
0x5d: {  	_ =	shalt  }
0x5e: {  	_ =	shalt  }
0x5f: {  	_ =	shalt  }
0x60: {  	_ =	shalt  }
0x61: {  	_ =	shalt  }
0x62: {  	_ =	shalt  }
0x63: {  	_ =	shalt  }
0x64: {  	_ =	shalt  }
0x65: {  	_ =	shalt  }
0x66: {  	_ =	shalt  }
0x67: {  	_ =	shalt  }
0x68: {  	_ =	shalt  }
0x69: {  	_ =	shalt  }
0x6a: {  	_ =	shalt  }
0x6b: {  	_ =	shalt  }
0x6c: {  	_ =	shalt  }
0x6d: {  	_ =	shalt  }
0x6e: {  	_ =	shalt  }
0x6f: {  	_ =	shalt  }
0x70: {  	_ =	shalt  }
0x71: {  	_ =	shalt  }
0x72: {  	_ =	shalt  }
0x73: {  	_ =	shalt  }
0x74: {  	_ =	shalt  }
0x75: {  	_ =	shalt  }
0x76: {  	_ =	shalt  }
0x77: {  	_ =	shalt  }
0x78: {  	_ =	shalt  }
0x79: {  	_ =	shalt  }
0x7a: {  	_ =	shalt  }
0x7b: {  	_ =	shalt  }
0x7c: {  	_ =	shalt  }
0x7d: {  	_ =	shalt  }
0x7e: {  	_ =	shalt  }
0x7f: {  	_ =	shalt  }
0x80: {  	_ =	shalt  }
0x81: {  	_ =	shalt  }
0x82: {  	_ =	shalt  }
0x83: {  	_ =	shalt  }
0x84: {  	_ =	shalt  }
0x85: {  	_ =	shalt  }
0x86: {  	_ =	shalt  }
0x87: {  	_ =	shalt  }
.Lfunc_end0:
.L_simem_size_0:
called_computation_lowered:
.L_overlay_start_0:
0x88: {  	s2 =	sld [smem:$0x3FD9]  }
0x89: {  	s3 =	sld [smem:$0x3FFE];
	_ =	sdelay $0x1  }
0x8a: {  	s1 =	srdreg.scid  }
0x8b: {  	s0 =	sand.u32 $0x1, s1  }
0x8c: {  	s16 =	sshll.u32 s0, $0xA;
	s2 =	sadd.s32 s3, s2  }
0x8d: {  	s2 =	sadd.s32 s2, s16  }
0x8e: {  	[smem:$0x3FC7] =	sst s2  }
0x8f: {  	_ = 	snop  }
0x90: {  	(tm) =	ssettm $0x1  }
0x91: {  	s17 =	sld [smem:$0x3FFB];
	_ =	sdelay $0x3  }
0x92: {  	_ =	strace s17  }
0x93: {  	s2 =	sld [smem:$0x3FFC];
	_ =	sdelay $0x3  }
0x94: {  	_ =	strace s2  }
0x95: {  	s2 =	sld [smem:$0x3FFD];
	_ =	sdelay $0x3  }
0x96: {  	_ =	strace s2  }
0x97: {  	_ =	strace $0x8FFFFFFF  }
0x98: {  	s18 =	sld [smem:$0x3FDB];
	_ =	sdelay $0x1  }
0x99: {  	s19 =	simm.s32 $_scs_section_size  }
0x9a: {  	s4 =	simm.s32 $_size__tile_overlayer_lowered;
	s5 =	simm.s32 $_tile_overlayer_lowered  }
0x9b: {  	s22 =	simm.s32 $0x1BFF;
	s21 =	sshll.u32 s5, $0x1;
	s2 =	sadd.s32 s19, s18  }
0x9c: {  	s6 =	simm.s32 $0x0;
	s20 =	sshll.u32 s4, $0x1;
	s4 =	sadd.s32 s21, s2  }
0x9d: {  	[timem:s6], [sflag:s22] =	dma.local [hbm:s4], s20  }
0x9e: {  	_ =	swait.ge [sflag:s22], s20  }
0x9f: {  	s3 =	ssub.s32 $0x0, s20;
	[sflag:s22] =	ssyncset.done $0x0  }
0xa0: {  	[sflag:s22] =	ssyncadd.s32 s3;
	_ =	sdelay $0x1  }
0xa1: {  	s23 =	simm.s32 $0x1B8B  }
0xa2: {  	_ =	swait.ge [sflag:s23], $0x1  }
0xa3: {  	[sflag:s23] =	ssyncset.done $0x0  }
0xa4: {  	s25 =	simm.s32 $0x1B8E;
	s24 =	sld [smem:$0x3FFE];
	[sflag:s23] =	ssyncadd.s32 $0xFFFFFFFF  }
0xa5: {  	s26 =	simm.s32 $execute0_lowered;
	[smem:$0x3FD2] =	sst s25  }
0xa6: {  	s4 =	sshll.u32 s26, $0x1;
	_ =	strace $0x80000046;
	[dreg:$0x1] =	wrdreg $0xFFFFFFFF  }
0xa7: {  	s28 =	simm.s32 $_size_execute0_lowered;
	s2 =	sadd.s32 s2, s4;
	[dreg:$0x0] =	wrdreg $0x0  }
0xa8: {  	s4 =	sshll.u32 s28, $0x1;
	[dreg:$0x2] =	wrdreg s2  }
0xa9: {  	[dreg:$0x3] =	wrdreg s4  }
0xaa: {  	[dreg:$0x4] =	wrdreg $0xC0  }
0xab: {  	_ =	task [dreg:s6], $0x5FFFF  }
0xac: {  	[dreg:$0x1] =	wrdreg $0xFFFFFFFF  }
0xad: {  	[dreg:$0x0] =	wrdreg $0x60  }
0xae: {  	[dreg:$0x2] =	wrdreg s24  }
0xaf: {  	[dreg:$0x3] =	wrdreg $0x9  }
0xb0: {  	_ =	task.clear_ibuf [dreg:s6], $0x4FFFF;
	_ =	strace $0x90000046  }
0xb1: {  	s29 =	simm.s32 $0x9;
	_ =	strace $0x8000004F  }
0xb2: {  	_ =	swait.ge [sflag:s29], $0x1  }
0xb3: {  	[sflag:s29] =	ssyncadd.s32 $0xFFFFFFFF  }
0xb4: {  	_ =	strace $0x9000004F  }
0xb5: {  	_ =	sfence  }
0xb6: {  	s30 =	sld [smem:$0x0];
	_ =	sdelay $0x2  }
0xb7: {  	s31 =	sshll.u32 s1, $0xD;
	s1 =	sshrl.u32 s1, $0x2  }
0xb8: {  	s3 =	sand.u32 $0x4000, s31;
	s1 =	sadd.s32 s1, s30  }
0xb9: {  	s0 =	sor.u32 s3, s0;
	s1 =	sshll.u32 s1, $0x11  }
0xba: {  	s0 =	sor.u32 s1, s0  }
0xbb: {  	s0 =	sadd.s32 $0x8F2B, s0  }
0xbc: {  	[sflag:s0] =	ssyncadd.remote.s32 $0x1  }
0xbd: {  	_ =	sfence.sel $0xFFFF  }
0xbe: {  	[dreg:$0x0] =	wrdreg $0xFFFFFFFF;
	(pc) =	sbr.abs _section_cstart, $3  }
0xbf: {  	[dreg:$0x1] =	wrdreg $0xFFFFFFFF  }
0xc0: {  	_ =	task.clear_ibuf [dreg:s6], $0x2FFFF;
	_ =	strace $0x9FFFFFFF  }
0xc1: {  	(tm) =	ssettm $0x7FFFFFFF  }
tec
execute0_lowered:
.L_overlay_start_1:
0x0: {  	(tag) =	ssettag $0x1  }
0x1: {  	s0 =	srdreg.scid  }
0x2: {  	s5 =	sand.u32 $0x1, s0  }
0x3: {  	s6 =	rddreg [dreg:$0x0];
	s1 =	stileid.u32;
	s3 =	sshll.u32 s5, $0x4  }
0x4: {  	s2 =	simm.s32 $0x0;
	s11 =	simm.s32 $0xF4240;
	s3 =	sor.u32 s1, s3  }
0x5: {  	s12 =	simm.s32 $0x0;
	[smem:$0x7FF] =	sst s2;
	s4 =	smul.u32 $0xF, s3  }
0x6: {  	s0 =	rddreg [dreg:$0x1];
	_ =	strace $0x80000047;
	s8 =	ssub.s32 $0x2, s5  }
0x7: {  	p0 =	slt.u32 s3, $0x14;
	s7 =	sshll.u32 s3, $0x4;
	s3 =	sadd.s32 $0x14, s4  }
0x8: {  	s5 =	simm.s32 $0x10;
	s31 =	sshrl.u32 s8, $0x1;
	s3 =	smov.u32 @p0 s7  }
0x9: {  	s10 =	ssub.s32 s8, s31;
	s5 =	simm.s32 @!p0 $0xF;
	s9 =	smul.u32 $0xFA, s3  }
0xa: {  	s4 =	sadd.s32 $0x400, s6;
	s6 =	sadd.s32 $0x3D600, s6;
	s8 =	sadd.s32 $0xFFFFFFFF, s5  }
0xb: {  	v0 =	vimm.f32 $0.0e+00;
	s7 =	sadd.s32 s4, s9;
	s9 =	smax.u32 s10, $0x1;
	s10 =	simm.s32 $0x7D0  }
.LBB2_1:
0xc: {  	_ =	strace $0x80000048;
	s14 =	simm.s32 $0x0  }
0xd: {  	s13 =	simm.s32 $0x0;
	s15 =	simm.s32 $0x0;
	s16 =	simm.s32 $0x0  }
0xe: {  	[tilespmem:s2], [sflag:$0x1] =	stream.strided.gather [hbm4b:s7+s10], $0xFA0, s11, s10, $0x200038;
	[tilespmem:$0x2EE0] =	vst v63  }
0xf: {  	s17 =	simm.s32 $0x1;
	s18 =	simm.s32 $0x0;
	_ =	strace $0x90000048  }
.LBB2_2:
0x10: {  	s22 =	smov.u32 s14;
	s14 =	sadd.s32 $0x1, s14  }
0x11: {  	p0 =	seq.s32 s14, s5  }
0x12: {  	s14 =	simm.s32 @p0 $0x0  }
0x13: {  	p6 =	slt.s32 s18, s8;
	p1 =	sne.s32 s22, s14  }
0x14: {  	p0 =	por !p6, !p1  }
0x15: {  	p0 =	por !p0, !p0  }
0x16: {  	s21 =	sadd.s32 @p0 s3, s14  }
0x17: {  	s19 =	sand.u32 @p0 $0x1, s17;
	s21 =	smul.u32 @p0 $0x7D0, s21  }
0x18: {  	_ =	strace @p0 $0x80000049;
	s20 =	smul.u32 @p0 $0x3E80, s19  }
0x19: {  	s23 =	simm.s32 @p0 $0x7D0;
	s24 =	simm.s32 @p0 $0xF4240;
	s21 =	sshrl.u32 @p0 s21, $0x3  }
0x1a: {  	s19 =	sadd.s32 @p0 $0x1, s19;
	s20 =	sshrl.u32 @p0 s20, $0x2;
	s21 =	sadd.s32 @p0 s4, s21  }
0x1b: {  	[tilespmem:s20], [sflag:s19] =	stream.strided.gather @p0 [hbm4b:s21+s23], $0xFA0, s24, s23, $0x200038;
	[tilespmem:$0x2EE0] =	vst v63  }
0x1c: {  	s26 =	sand.u32 $0x1, s16;
	_ =	strace @p0 $0x90000049  }
0x1d: {  	s29 =	sadd.s32 $0x1, s26;
	_ =	strace $0x8000004A  }
0x1e: {  	_ =	swait.ge [sflag:s29], $0xFA0  }
0x1f: {  	s19 =	smul.u32 $0x3E80, s26;
	[sflag:s29] =	ssyncset.done $0x0  }
0x20: {  	[sflag:s29] =	ssyncadd.s32 $0xFFFFF060  }
0x21: {  	s19 =	sshrl.u32 s19, $0x2;
	_ =	strace $0x9000004A  }
0x22: {  	s30 =	sadd.s32 $0x800, s19;
	_ =	strace $0x8000004B  }
0x23: {  	v1 =	vld [tilespmem:s30+$0xFFFFF800]  }
0x24: {  	v2 =	vld [tilespmem:s30+$0x0]  }
0x25: {  	v3 =	vld [tilespmem:s30+$0xFFFFF830]  }
0x26: {  	v4 =	vld [tilespmem:s30+$0xFFFFFFF0]  }
0x27: {  	v5 =	vld [tilespmem:s30+$0xFFFFF820]  }
0x28: {  	v6 =	vld [tilespmem:s30+$0xFFFFFFE0]  }
0x29: {  	v7 =	vld [tilespmem:s30+$0xFFFFF810]  }
0x2a: {  	v8 =	vld [tilespmem:s30+$0xFFFFFFD0]  }
0x2b: {  	s25 =	sadd.s32 $0x40, s30;
	v1 =	vand.u32 $0x7FFFFFFF, v1  }
0x2c: {  	v9 =	vld [tilespmem:s25+$0xFFFFF800];
	v10 =	vand.u32 $0x7FFFFFFF, v3;
	v2 =	vand.u32 $0x7FFFFFFF, v2;
	v5 =	vand.u32 $0x7FFFFFFF, v5  }
0x2d: {  	s20 =	sand.u32 $0x1, s15;
	v4 =	vand.u32 $0x7FFFFFFF, v4;
	v3 =	vld [tilespmem:s25+$0xFFFFF830];
	v6 =	vand.u32 $0x7FFFFFFF, v6;
	vm0 =	vle.f32 v1, $3.000000000e+00  }
0x2e: {  	s31 =	smul.u32 $0x1F40, s20;
	v1 =	vld [tilespmem:s25+$0x0];
	vm1 =	vle.f32 v2, $1.500000000e+00;
	vm2 =	vle.f32 v5, $3.000000000e+00;
	vm3 =	vle.f32 v4, $1.500000000e+00  }
0x2f: {  	v2 =	vld [tilespmem:s25+$0xFFFFFFF0];
	v5 =	vand.u32 $0x7FFFFFFF, v7;
	vm4 =	vle.f32 v6, $1.500000000e+00;
	v6 =	vand.u32 $0x7FFFFFFF, v8  }
0x30: {  	s21 =	sshrl.u32 s31, $0x2;
	v4 =	vld [tilespmem:s25+$0xFFFFF820];
	vm15 =	vle.f32 v10, $3.000000000e+00;
	vm2 =	vmand vm2, vm3;
	vm13 =	vle.f32 v5, $3.000000000e+00  }
0x31: {  	s24 =	sadd.s32 $0x1F60, s21;
	v5 =	vld [tilespmem:s25+$0xFFFFFFE0];
	vm14 =	vle.f32 v6, $1.500000000e+00;
	v7 =	vsel vm2, $0x447A0000, v0;
	vm3 =	vmand vm13, vm4  }
0x32: {  	s23 =	sadd.s32 s3, s22;
	s26 =	simm.s32 $0x4;
	v6 =	vld [tilespmem:s25+$0xFFFFF810];
	vm1 =	vmand vm15, vm1;
	vm0 =	vmand vm0, vm14;
	[tilespmem:s24+$0x0] =	vst v7;
	v8 =	vsel vm3, $0x447A0000, v0  }
0x33: {  	s22 =	sadd.s32 $0x1F40, s21;
	s28 =	sadd.s32 $0x40, s25;
	v10 =	vand.u32 $0x7FFFFFFF, v9;
	v7 =	vld [tilespmem:s25+$0xFFFFFFD0];
	v9 =	vsel vm0, $0x447A0000, v0;
	s25 =	smov.u32 s24;
	[tilespmem:s24+$0xFFFFFFF0] =	vst v8;
	v8 =	vsel vm1, $0x447A0000, v0  }
.LBB2_3:
0x34: {  	v11 =	vld [tilespmem:s28+$0xFFFFF800];
	s26 =	sadd.s32 $0x4, s26;
	vm0 =	vle.f32 v10, $3.000000000e+00;
	v10 =	vand.u32 $0x7FFFFFFF, v3;
	v3 =	vand.u32 $0x7FFFFFFF, v1;
	[tilespmem:s24+$0xFFFFFFE0] =	vst v9;
	s25 =	sadd.s32 $0x40, s25  }
0x35: {  	v2 =	vand.u32 $0x7FFFFFFF, v2;
	v1 =	vld [tilespmem:s28+$0x0];
	p2 =	slt.u32 s26, $0x78;
	v4 =	vand.u32 $0x7FFFFFFF, v4;
	vm1 =	vle.f32 v3, $1.500000000e+00;
	[tilespmem:s24+$0x10] =	vst v8;
	s24 =	smov.u32 s25  }
0x36: {  	vm3 =	vle.f32 v2, $1.500000000e+00;
	v3 =	vld [tilespmem:s28+$0xFFFFF830];
	v5 =	vand.u32 $0x7FFFFFFF, v5;
	vm2 =	vle.f32 v4, $3.000000000e+00  }
.Ltmp0:
0x37: {  	v2 =	vld [tilespmem:s28+$0xFFFFFFF0];
	v6 =	vand.u32 $0x7FFFFFFF, v6;
	vm4 =	vle.f32 v5, $1.500000000e+00;
	vm2 =	vmand vm2, vm3;
	(pc) =	sbr.rel @p2 .LBB2_3-.Ltmp0, $4  }
0x38: {  	v4 =	vld [tilespmem:s28+$0xFFFFF820];
	v7 =	vand.u32 $0x7FFFFFFF, v7;
	vm3 =	vle.f32 v6, $3.000000000e+00;
	v6 =	vsel vm2, $0x447A0000, v0  }
0x39: {  	v5 =	vld [tilespmem:s28+$0xFFFFFFE0];
	vm2 =	vle.f32 v7, $1.500000000e+00;
	vm3 =	vmand vm3, vm4;
	[tilespmem:s25+$0x0] =	vst v6;
	vm4 =	vle.f32 v10, $3.000000000e+00  }
0x3a: {  	v6 =	vld [tilespmem:s28+$0xFFFFF810];
	vm0 =	vmand vm0, vm2;
	v8 =	vsel vm3, $0x447A0000, v0;
	vm1 =	vmand vm4, vm1  }
0x3b: {  	v10 =	vand.u32 $0x7FFFFFFF, v11;
	v7 =	vld [tilespmem:s28+$0xFFFFFFD0];
	s28 =	sadd.s32 $0x40, s28;
	v9 =	vsel vm0, $0x447A0000, v0;
	[tilespmem:s25+$0xFFFFFFF0] =	vst v8;
	v8 =	vsel vm1, $0x447A0000, v0  }
0x3c: {  	vm0 =	vle.f32 v10, $3.000000000e+00;
	v3 =	vand.u32 $0x7FFFFFFF, v3  }
0x3d: {  	v1 =	vand.u32 $0x7FFFFFFF, v1;
	v2 =	vand.u32 $0x7FFFFFFF, v2;
	v4 =	vand.u32 $0x7FFFFFFF, v4  }
0x3e: {  	vm1 =	vle.f32 v1, $1.500000000e+00;
	vm3 =	vle.f32 v2, $1.500000000e+00;
	v1 =	vand.u32 $0x7FFFFFFF, v5  }
0x3f: {  	vm2 =	vle.f32 v4, $3.000000000e+00;
	v2 =	vand.u32 $0x7FFFFFFF, v6;
	vm4 =	vle.f32 v1, $1.500000000e+00  }
0x40: {  	[tilespmem:s24+$0xFFFFFFE0] =	vst v9;
	vm2 =	vmand vm2, vm3;
	v1 =	vand.u32 $0x7FFFFFFF, v7;
	vm11 =	vle.f32 v2, $3.000000000e+00  }
0x41: {  	s25 =	sadd.s32 $0x40, s25;
	[tilespmem:s24+$0x10] =	vst v8;
	v2 =	vsel vm2, $0x447A0000, v0;
	vm12 =	vle.f32 v1, $1.500000000e+00;
	vm3 =	vmand vm11, vm4  }
0x42: {  	vm13 =	vle.f32 v3, $3.000000000e+00;
	[tilespmem:s25+$0x0] =	vst v2;
	vm0 =	vmand vm0, vm12;
	v1 =	vsel vm3, $0x447A0000, v0  }
0x43: {  	vm1 =	vmand vm13, vm1;
	v2 =	vsel vm0, $0x447A0000, v0;
	[tilespmem:s25+$0xFFFFFFF0] =	vst v1  }
0x44: {  	v1 =	vsel vm1, $0x447A0000, v0;
	[tilespmem:s25+$0xFFFFFFE0] =	vst v2  }
0x45: {  	[tilespmem:s25+$0x10] =	vst v1  }
0x46: {  	v1 =	vld [tilespmem:s19+$0x7C0]  }
0x47: {  	v2 =	vld [tilespmem:s19+$0xF90];
	_ =	sdelay $0x4  }
0x48: {  	p2 =	seq.s32 s18, s8;
	v1 =	vand.u32 $0x7FFFFFFF, v1;
	v2 =	vand.u32 $0x7FFFFFFF, v2  }
0x49: {  	p1 =	por p2, p1;
	vm14 =	vle.f32 v1, $3.000000000e+00;
	vm15 =	vle.f32 v2, $1.500000000e+00  }
0x4a: {  	s19 =	smul.u32 @p1 $0x7D0, s23;
	vm0 =	vmand vm14, vm15  }
0x4b: {  	s20 =	sadd.s32 @p1 $0x3, s20;
	v1 =	vsel vm0, $0x447A0000, v0  }
0x4c: {  	s23 =	simm.s32 @p1 $0x0;
	s19 =	sshrl.u32 @p1 s19, $0x3;
	[tilespmem:s21+$0x2700] =	vst v1;
	s21 =	simm.s32 $0x1  }
0x4d: {  	s19 =	sadd.s32 @p1 s6, s19;
	_ =	strace $0x9000004B;
	s21 =	simm.s32 @!p0 $0x0  }
0x4e: {  	p0 =	seq.s32 s18, $0x0;
	_ =	strace @p1 $0x8000004C;
	s17 =	sadd.s32 s21, s17  }
0x4f: {  	[hbm4b:s19+s23] =	stream.linear.scatter @p1 [tilespmem:s22], [sflag:s20], $0x7D0, $0x200038;
	[tilespmem:$0x2EE0] =	vst v63  }
0x50: {  	s21 =	simm.s32 $0x1;
	s19 =	simm.s32 $0x1;
	_ =	strace @p1 $0x9000004C  }
0x51: {  	s19 =	simm.s32 @!p1 $0x0;
	p1 =	sne.s32 s18, $0x0;
	s18 =	sadd.s32 $0x1, s18  }
0x52: {  	s20 =	sand.u32 @!p0 $0x1, s13;
	s21 =	simm.s32 @!p1 $0x0;
	p1 =	sne.s32 s18, s5  }
.Ltmp1:
0x53: {  	s20 =	sadd.s32 @!p0 $0x3, s20;
	_ =	strace @!p0 $0x8000004D;
	(pc) =	sbr.rel @p1 .LBB2_2-.Ltmp1, $4  }
0x54: {  	_ =	swait.ge @!p0 [sflag:s20], $0x7D0  }
0x55: {  	[sflag:s20] =	ssyncset.done @!p0 $0x0  }
0x56: {  	s15 =	sadd.s32 s19, s15;
	[sflag:s20] =	ssyncadd.s32 @!p0 $0xFFFFF830  }
0x57: {  	s16 =	sadd.s32 s19, s16;
	s13 =	sadd.s32 s21, s13;
	_ =	strace @!p0 $0x9000004D  }
0x58: {  	s12 =	sadd.s32 $0x1, s12  }
0x59: {  	s13 =	sand.u32 $0x1, s13;
	p0 =	sne.s32 s12, s9  }
.Ltmp2:
0x5a: {  	_ =	strace $0x8000004E;
	s13 =	sadd.s32 $0x3, s13;
	(pc) =	sbr.rel @p0 .LBB2_1-.Ltmp2, $4  }
0x5b: {  	_ =	swait.ge [sflag:s13], $0x7D0  }
0x5c: {  	[sflag:s13] =	ssyncset.done $0x0  }
0x5d: {  	[sflag:s13] =	ssyncadd.s32 $0xFFFFF830  }
0x5e: {  	_ =	strace $0x9000004E  }
0x5f: {  	_ =	sfence.sel $0x180000  }
0x60: {  	[bflag:$0x0] =	sbarrier.arrive $0xFFFF  }
0x61: {  	p0 =	sne.s32 s1, $0x0;
	_ =	strace $0x90000047  }
0x62: {  	s0 =	sadd.s32 @!p0 $0x100000, s0;
	[bflag:$0x2] =	sbarrier.arrive $0xFFFF  }
0x63: {  	[sflag:s0] =	ssyncadd.tile.s32 @!p0 $0x1;
	_ =	shalt  }
.Lfunc_end2:
_tile_overlayer_lowered:
.L_overlay_start_2:
0x64: {  	(tag) =	ssettag $0x2  }
0x65: {  	s0 =	rddreg [dreg:$0x0];
	s2 =	stileid.u32  }
0x66: {  	s1 =	rddreg [dreg:$0x1];
	p0 =	sne.s32 s2, $0x0  }
0x67: {  	s3 =	rddreg [dreg:$0x2];
	[bflag:$0x3] =	sbarrier.arrive $0xFFFF;
	s2 =	simm.s32 @!p0 $0x1C01  }
0x68: {  	[timem:s3], [sflag:s2] =	dma.local @!p0 [hbm:s0], s1  }
0x69: {  	s0 =	simm.s32 @!p0 $0x1  }
0x6a: {  	_ =	swait.ge @!p0 [sflag:s0], s1  }
0x6b: {  	s1 =	ssub.s32 @!p0 $0x0, s1;
	[sflag:s0] =	ssyncset.done @!p0 $0x0  }
0x6c: {  	[sflag:s0] =	ssyncadd.s32 @!p0 s1  }
0x6d: {  	[bflag:$0x3] =	sbarrier.arrive $0xFFFF  }
0x6e: {  	_ =	shalt  }

</sc_bundles>
